<compile_context>
chip_gen: v7x
topology: tpu7x:2x2x1
jax: 0.10.2.dev20260603
libtpu: 0.0.44.dev20260713+nightly
codegen_flags: <defaults>
</compile_context>

<pallas_src>
import functools

import jax
import jax.numpy as jnp
from jax import lax
from jax.experimental import pallas as pl
from jax.experimental.pallas import tpu as pltpu
from jax.experimental.pallas import tpu_sc as plsc

_LANES = 16
_NUM_WORKERS = 32
_NBUF = 4
_UNROLL = 4


def _build(batch, n, n_pad):
    rows_per_w = batch // _NUM_WORKERS
    num_groups = rows_per_w // _NBUF
    full_chunks = n // _LANES
    rem = n - full_chunks * _LANES
    bulk_end = 1 + ((full_chunks - 1) // _UNROLL) * _UNROLL
    mesh = plsc.VectorSubcoreMesh(core_axis_name="c", subcore_axis_name="s")

    @functools.partial(
        pl.kernel,
        mesh=mesh,
        out_type=jax.ShapeDtypeStruct((batch, n), jnp.float32),
        scratch_types=[
            pltpu.VMEM((1, n), jnp.float32),
            pltpu.VMEM((1, n), jnp.float32),
            pltpu.VMEM((1, n), jnp.float32),
            pltpu.VMEM((1, n), jnp.float32),
            pltpu.VMEM((n_pad,), jnp.int32),
            pltpu.SemaphoreType.DMA,
            pltpu.SemaphoreType.DMA,
            pltpu.SemaphoreType.DMA,
            pltpu.SemaphoreType.DMA,
            pltpu.SemaphoreType.DMA,
            pltpu.SemaphoreType.DMA,
            pltpu.SemaphoreType.DMA,
            pltpu.SemaphoreType.DMA,
        ],
        compiler_params=pltpu.CompilerParams(needs_layout_passes=False),
    )
    def run(p_hbm, idx_hbm, out_hbm, b0, b1, b2, b3,
            idx_v, si0, si1, si2, si3, so0, so1, so2, so3):
        bufs = (b0, b1, b2, b3)
        in_sems = (si0, si1, si2, si3)
        out_sems = (so0, so1, so2, so3)
        nc = 2
        wid = lax.axis_index("s") * nc + lax.axis_index("c")
        base = wid * rows_per_w
        lane = jax.lax.iota(jnp.int32, _LANES)
        zero16 = jnp.zeros((_LANES,), jnp.int32)

        pltpu.sync_copy(idx_hbm, idx_v)

        def in_cp(row, b):
            return pltpu.make_async_copy(
                p_hbm.at[pl.ds(row, 1)], bufs[b], in_sems[b])

        def out_cp(row, b):
            return pltpu.make_async_copy(
                bufs[b], out_hbm.at[pl.ds(row, 1)], out_sems[b])

        def compute(row_v):
            v0 = row_v[0, pl.ds(0, _LANES)]
            ix0 = idx_v[pl.ds(0, _LANES)]
            plsc.addupdate_scatter(row_v, [zero16, ix0], -v0, mask=lane >= 1)

            @plsc.parallel_loop(1, bulk_end, unroll=_UNROLL)
            def chunk_body(c):
                off = c * _LANES
                v = row_v[0, pl.ds(off, _LANES)]
                ix = idx_v[pl.ds(off, _LANES)]
                plsc.addupdate_scatter(row_v, [zero16, ix], -v)

            def tail_body(c, carry2):
                off = c * _LANES
                v = row_v[0, pl.ds(off, _LANES)]
                ix = idx_v[pl.ds(off, _LANES)]
                plsc.addupdate_scatter(row_v, [zero16, ix], -v)
                return carry2

            lax.fori_loop(bulk_end, full_chunks, tail_body, 0)

            if rem:
                off = full_chunks * _LANES
                col = jnp.minimum(off + lane, n - 1)
                vl = plsc.load_gather(row_v, [zero16, col], mask=lane < rem)
                ixl = idx_v[pl.ds(off, _LANES)]
                plsc.addupdate_scatter(
                    row_v, [zero16, ixl], -vl, mask=lane < rem)

        for g in range(3):
            in_cp(base + g, g).start()

        def step(g_row, b, *, prefetch, wait_prev_out):
            in_cp(g_row, b).wait()
            compute(bufs[b])
            out_cp(g_row, b).start()
            if wait_prev_out:
                out_cp(g_row - 1, (b + 3) % _NBUF).wait()
            if prefetch:
                in_cp(g_row + 3, (b + 3) % _NBUF).start()

        for j in range(_NBUF):
            step(base + j, j, prefetch=True, wait_prev_out=(j > 0))

        def group_body(go, carry):
            g0 = base + go * _NBUF
            for j in range(_NBUF):
                step(g0 + j, j, prefetch=True, wait_prev_out=True)
            return carry

        lax.fori_loop(1, num_groups - 1, group_body, 0)

        gl = base + (num_groups - 1) * _NBUF
        step(gl, 0, prefetch=True, wait_prev_out=True)
        for j in range(1, _NBUF):
            step(gl + j, j, prefetch=False, wait_prev_out=False)

        for j in range(_NBUF):
            out_cp(gl + j, j).wait()

    return run


def kernel(p, parent):
    batch, n = p.shape
    n_pad = ((n + 127) // 128) * 128
    idx = jnp.zeros((n_pad,), dtype=jnp.int32)
    idx = idx.at[1:n].set(parent[1:].astype(jnp.int32))
    run = _build(batch, n, n_pad)
    return run(p, idx)

# --- scband reference (transcript-rebuilt; emitter-appended) ---
"""Pipeline reference for scband-subtract-children-3702261809404 (READ-ONLY COPY).

The authoritative reference and input builder live on the scoring server;
editing this copy changes nothing except your own understanding.
"""

import jax, jax.numpy as jnp
import numpy as np

N_NODES = 21843
BATCH = 1024


def _make_parents(n):
    # Valid tree: parent[i] < i for i >= 1; parent[0] is the root (unused by forward).
    rng = np.random.default_rng(0)
    parent = np.zeros(n, dtype=np.int64)
    parent[1:] = (rng.random(n - 1) * np.arange(1, n)).astype(np.int64)
    return parent


def setup_inputs(seed: int = 0) -> dict:
    key = jax.random.key(seed)
    p = jax.random.normal(key, (BATCH, N_NODES), dtype=jnp.float32)
    parent = jnp.asarray(_make_parents(N_NODES))
    return {"p": p, "parent": parent}


def reference(p, parent):
    # torch: p.index_add(-1, parent[1:], p[..., 1:], alpha=-1)
    # i.e. out = p; for each child k>=1: out[..., parent[k]] -= p[..., k]
    # Duplicate parent indices accumulate (scatter-add semantics).
    return p.at[..., parent[1:]].add(-p[..., 1:])

if __name__ == "__main__":
    import jax
    _d = setup_inputs()
    print(jax.jit(kernel)(*tuple(_d.values())))

</pallas_src>

<mosaic_0001>
#map = affine_map<(d0, d1) -> (0, 0)>
#map1 = affine_map<(d0, d1) -> (0)>
module attributes {stable_mosaic.version = 14 : i64} {
  func.func @run(%arg0: i32, %arg1: i32, %arg2: memref<1024x21843xf32, #tpu.memory_space<hbm>>, %arg3: memref<21888xi32, #tpu.memory_space<hbm>>, %arg4: memref<1024x21843xf32, #tpu.memory_space<hbm>>, %arg5: memref<1x21843xf32, #tpu.memory_space<vmem>>, %arg6: memref<1x21843xf32, #tpu.memory_space<vmem>>, %arg7: memref<1x21843xf32, #tpu.memory_space<vmem>>, %arg8: memref<1x21843xf32, #tpu.memory_space<vmem>>, %arg9: memref<21888xi32, #tpu.memory_space<vmem>>, %arg10: memref<!tpu.dma_semaphore, #tpu.memory_space<semaphore_mem>>, %arg11: memref<!tpu.dma_semaphore, #tpu.memory_space<semaphore_mem>>, %arg12: memref<!tpu.dma_semaphore, #tpu.memory_space<semaphore_mem>>, %arg13: memref<!tpu.dma_semaphore, #tpu.memory_space<semaphore_mem>>, %arg14: memref<!tpu.dma_semaphore, #tpu.memory_space<semaphore_mem>>, %arg15: memref<!tpu.dma_semaphore, #tpu.memory_space<semaphore_mem>>, %arg16: memref<!tpu.dma_semaphore, #tpu.memory_space<semaphore_mem>>, %arg17: memref<!tpu.dma_semaphore, #tpu.memory_space<semaphore_mem>>) attributes {dimension_semantics = [#tpu.dimension_semantics<core_parallel>, #tpu.dimension_semantics<subcore_parallel>], iteration_bounds = array<i64: 2, 16>, scalar_prefetch = 0 : i64, scratch_operands = 13 : i64, tpu.core_type = #tpu.core_type<sc_vector_subcore>, window_params = [{transform_indices = #map}, {transform_indices = #map1}, {transform_indices = #map}]} {
    %mul3A = arith.constant 2 : i32
    %mul3A_0 = arith.muli %arg1, %mul3A : i32
    %add3A = arith.addi %mul3A_0, %arg0 : i32
    %mul3A_1 = arith.constant 32 : i32
    %mul3A_2 = arith.muli %add3A, %mul3A_1 : i32
    %iota3A = tpu.iota {dimensions = array<i32: 0>} : vector<16xi32>
    %broadcast_in_dim3A = arith.constant 0 : i32
    %broadcast_in_dim3A_3 = vector.broadcast %broadcast_in_dim3A : i32 to vector<16xi32>
    "tpu.region"() ({
      %run_scoped3A = tpu.sem_alloc : memref<!tpu.dma_semaphore, #tpu.memory_space<semaphore_mem>>
      tpu.enqueue_dma source(%arg3 : memref<21888xi32, #tpu.memory_space<hbm>>) target(%arg9 : memref<21888xi32, #tpu.memory_space<vmem>>) target_semaphore(%run_scoped3A : memref<!tpu.dma_semaphore, #tpu.memory_space<semaphore_mem>>)
      tpu.wait_dma2 semaphore(%run_scoped3A : memref<!tpu.dma_semaphore, #tpu.memory_space<semaphore_mem>>) src(%arg3 : memref<21888xi32, #tpu.memory_space<hbm>>) dst(%arg9 : memref<21888xi32, #tpu.memory_space<vmem>>)
      tpu.yield
    }) : () -> ()
    %add3A_4 = arith.constant 0 : i32
    %add3A_5 = arith.addi %mul3A_2, %add3A_4 : i32
    %dma_start3A = arith.constant 0 : i32
    %dma_start3A_6 = tpu.memref_slice %arg2[%add3A_5, %dma_start3A] : memref<1024x21843xf32, #tpu.memory_space<hbm>> -> memref<1x21843xf32, #tpu.memory_space<hbm>>
    %dma_start3A_7 = arith.constant 0 : i32
    %dma_start3A_8 = tpu.memref_slice %arg2[%add3A_5, %dma_start3A_7] : memref<1024x21843xf32, #tpu.memory_space<hbm>> -> memref<1x21843xf32, #tpu.memory_space<hbm>>
    tpu.enqueue_dma source(%dma_start3A_8 : memref<1x21843xf32, #tpu.memory_space<hbm>>) target(%arg5 : memref<1x21843xf32, #tpu.memory_space<vmem>>) target_semaphore(%arg10 : memref<!tpu.dma_semaphore, #tpu.memory_space<semaphore_mem>>)
    %add3A_9 = arith.constant 1 : i32
    %add3A_10 = arith.addi %mul3A_2, %add3A_9 : i32
    %dma_start3A_11 = arith.constant 0 : i32
    %dma_start3A_12 = tpu.memref_slice %arg2[%add3A_10, %dma_start3A_11] : memref<1024x21843xf32, #tpu.memory_space<hbm>> -> memref<1x21843xf32, #tpu.memory_space<hbm>>
    %dma_start3A_13 = arith.constant 0 : i32
    %dma_start3A_14 = tpu.memref_slice %arg2[%add3A_10, %dma_start3A_13] : memref<1024x21843xf32, #tpu.memory_space<hbm>> -> memref<1x21843xf32, #tpu.memory_space<hbm>>
    tpu.enqueue_dma source(%dma_start3A_14 : memref<1x21843xf32, #tpu.memory_space<hbm>>) target(%arg6 : memref<1x21843xf32, #tpu.memory_space<vmem>>) target_semaphore(%arg11 : memref<!tpu.dma_semaphore, #tpu.memory_space<semaphore_mem>>)
    %add3A_15 = arith.constant 2 : i32
    %add3A_16 = arith.addi %mul3A_2, %add3A_15 : i32
    %dma_start3A_17 = arith.constant 0 : i32
    %dma_start3A_18 = tpu.memref_slice %arg2[%add3A_16, %dma_start3A_17] : memref<1024x21843xf32, #tpu.memory_space<hbm>> -> memref<1x21843xf32, #tpu.memory_space<hbm>>
    %dma_start3A_19 = arith.constant 0 : i32
    %dma_start3A_20 = tpu.memref_slice %arg2[%add3A_16, %dma_start3A_19] : memref<1024x21843xf32, #tpu.memory_space<hbm>> -> memref<1x21843xf32, #tpu.memory_space<hbm>>
    tpu.enqueue_dma source(%dma_start3A_20 : memref<1x21843xf32, #tpu.memory_space<hbm>>) target(%arg7 : memref<1x21843xf32, #tpu.memory_space<vmem>>) target_semaphore(%arg12 : memref<!tpu.dma_semaphore, #tpu.memory_space<semaphore_mem>>)
    %add3A_21 = arith.constant 0 : i32
    %add3A_22 = arith.addi %mul3A_2, %add3A_21 : i32
    %dma_wait3A = arith.constant 0 : i32
    %dma_wait3A_23 = tpu.memref_slice %arg2[%add3A_22, %dma_wait3A] : memref<1024x21843xf32, #tpu.memory_space<hbm>> -> memref<1x21843xf32, #tpu.memory_space<hbm>>
    %dma_wait3A_24 = arith.constant 0 : i32
    %dma_wait3A_25 = tpu.memref_slice %arg2[%add3A_22, %dma_wait3A_24] : memref<1024x21843xf32, #tpu.memory_space<hbm>> -> memref<1x21843xf32, #tpu.memory_space<hbm>>
    tpu.wait_dma2 semaphore(%arg10 : memref<!tpu.dma_semaphore, #tpu.memory_space<semaphore_mem>>) src(%dma_wait3A_25 : memref<1x21843xf32, #tpu.memory_space<hbm>>) dst(%arg5 : memref<1x21843xf32, #tpu.memory_space<vmem>>)
    %get3A = arith.constant 0 : i32
    %get3A_26 = arith.index_cast %get3A : i32 to index
    %get3A_27 = arith.constant 0 : index
    %get3A_28 = tpu.vector_load %arg5[%get3A_26, %get3A_27] {strides = array<i32>} : memref<1x21843xf32, #tpu.memory_space<vmem>>, vector<16xf32>,
    %get3A_29 = arith.constant 0 : index
    %get3A_30 = tpu.vector_load %arg9[%get3A_29] {strides = array<i32>} : memref<21888xi32, #tpu.memory_space<vmem>>, vector<16xi32>,
    %neg3A = arith.constant 0.000000e+00 : f32
    %neg3A_31 = vector.broadcast %neg3A : f32 to vector<16xf32>
    %neg3A_32 = arith.subf %neg3A_31, %get3A_28 : vector<16xf32>
    %ge3A = arith.constant 1 : i32
    %ge3A_33 = vector.broadcast %ge3A : i32 to vector<16xi32>
    %ge3A_34 = arith.cmpi sge, %iota3A, %ge3A_33 : vector<16xi32>
    tpu.vector_store_idx %arg5[%broadcast_in_dim3A_3, %get3A_30], %neg3A_32 masked %ge3A_34 {add = true} : memref<1x21843xf32, #tpu.memory_space<vmem>>[vector<16xi32>, vector<16xi32>], vector<16xf32>, vector<16xi1>
    %parallel_loop3A = arith.constant 1 : i32
    %parallel_loop3A_35 = arith.constant 1365 : i32
    %parallel_loop3A_36 = arith.constant 1 : i32
    scf.for %parallel_loop3A_479 = %parallel_loop3A to %parallel_loop3A_35 step %parallel_loop3A_36  : i32 {
      %parallel_loop3A_480 = arith.constant 16 : i32
      %parallel_loop3A_481 = arith.muli %parallel_loop3A_479, %parallel_loop3A_480 : i32
      %parallel_loop3A_482 = arith.constant 0 : i32
      %parallel_loop3A_483 = arith.index_cast %parallel_loop3A_482 : i32 to index
      %parallel_loop3A_484 = arith.index_cast %parallel_loop3A_481 : i32 to index
      %parallel_loop3A_485 = tpu.vector_load %arg5[%parallel_loop3A_483, %parallel_loop3A_484] {strides = array<i32>} : memref<1x21843xf32, #tpu.memory_space<vmem>>, vector<16xf32>,
      %parallel_loop3A_486 = arith.index_cast %parallel_loop3A_481 : i32 to index
      %parallel_loop3A_487 = tpu.vector_load %arg9[%parallel_loop3A_486] {strides = array<i32>} : memref<21888xi32, #tpu.memory_space<vmem>>, vector<16xi32>,
      %parallel_loop3A_488 = arith.constant 0.000000e+00 : f32
      %parallel_loop3A_489 = vector.broadcast %parallel_loop3A_488 : f32 to vector<16xf32>
      %parallel_loop3A_490 = arith.subf %parallel_loop3A_489, %parallel_loop3A_485 : vector<16xf32>
      tpu.vector_store_idx %arg5[%broadcast_in_dim3A_3, %parallel_loop3A_487], %parallel_loop3A_490 {add = true} : memref<1x21843xf32, #tpu.memory_space<vmem>>[vector<16xi32>, vector<16xi32>], vector<16xf32>,
    } {sc.loop_unroll_factor = 4 : i64, sc.parallel_access}
    %scan3A = arith.constant 0 : i32
    %scan3A_37 = arith.constant 1365 : i32
    %scan3A_38 = arith.constant 0 : i32
    %scan3A_39 = arith.addi %scan3A_37, %scan3A_38 : i32
    %scan3A_40 = arith.constant 0 : i32
    %add3A_41 = arith.constant 21840 : i32
    %add3A_42 = vector.broadcast %add3A_41 : i32 to vector<16xi32>
    %add3A_43 = arith.addi %add3A_42, %iota3A : vector<16xi32>
    %min3A = arith.constant 21842 : i32
    %min3A_44 = vector.broadcast %min3A : i32 to vector<16xi32>
    %min3A_45 = arith.minsi %add3A_43, %min3A_44 : vector<16xi32>
    %lt3A = arith.constant 3 : i32
    %lt3A_46 = vector.broadcast %lt3A : i32 to vector<16xi32>
    %lt3A_47 = arith.cmpi slt, %iota3A, %lt3A_46 : vector<16xi32>
    %gather3A = tpu.vector_load_idx %arg5[%broadcast_in_dim3A_3, %min3A_45] masked %lt3A_47 : memref<1x21843xf32, #tpu.memory_space<vmem>>[vector<16xi32>, vector<16xi32>], vector<16xf32>, vector<16xi1>
    %get3A_48 = arith.constant 21840 : index
    %get3A_49 = tpu.vector_load %arg9[%get3A_48] {strides = array<i32>} : memref<21888xi32, #tpu.memory_space<vmem>>, vector<16xi32>,
    %neg3A_50 = arith.constant 0.000000e+00 : f32
    %neg3A_51 = vector.broadcast %neg3A_50 : f32 to vector<16xf32>
    %neg3A_52 = arith.subf %neg3A_51, %gather3A : vector<16xf32>
    %lt3A_53 = arith.constant 3 : i32
    %lt3A_54 = vector.broadcast %lt3A_53 : i32 to vector<16xi32>
    %lt3A_55 = arith.cmpi slt, %iota3A, %lt3A_54 : vector<16xi32>
    tpu.vector_store_idx %arg5[%broadcast_in_dim3A_3, %get3A_49], %neg3A_52 masked %lt3A_55 {add = true} : memref<1x21843xf32, #tpu.memory_space<vmem>>[vector<16xi32>, vector<16xi32>], vector<16xf32>, vector<16xi1>
    %dma_start3A_56 = arith.constant 0 : i32
    %dma_start3A_57 = tpu.memref_slice %arg4[%add3A_22, %dma_start3A_56] : memref<1024x21843xf32, #tpu.memory_space<hbm>> -> memref<1x21843xf32, #tpu.memory_space<hbm>>
    %dma_start3A_58 = arith.constant 0 : i32
    %dma_start3A_59 = tpu.memref_slice %arg4[%add3A_22, %dma_start3A_58] : memref<1024x21843xf32, #tpu.memory_space<hbm>> -> memref<1x21843xf32, #tpu.memory_space<hbm>>
    tpu.enqueue_dma source(%arg5 : memref<1x21843xf32, #tpu.memory_space<vmem>>) target(%dma_start3A_59 : memref<1x21843xf32, #tpu.memory_space<hbm>>) target_semaphore(%arg14 : memref<!tpu.dma_semaphore, #tpu.memory_space<semaphore_mem>>)
    %add3A_60 = arith.constant 3 : i32
    %add3A_61 = arith.addi %add3A_22, %add3A_60 : i32
    %dma_start3A_62 = arith.constant 0 : i32
    %dma_start3A_63 = tpu.memref_slice %arg2[%add3A_61, %dma_start3A_62] : memref<1024x21843xf32, #tpu.memory_space<hbm>> -> memref<1x21843xf32, #tpu.memory_space<hbm>>
    %dma_start3A_64 = arith.constant 0 : i32
    %dma_start3A_65 = tpu.memref_slice %arg2[%add3A_61, %dma_start3A_64] : memref<1024x21843xf32, #tpu.memory_space<hbm>> -> memref<1x21843xf32, #tpu.memory_space<hbm>>
    tpu.enqueue_dma source(%dma_start3A_65 : memref<1x21843xf32, #tpu.memory_space<hbm>>) target(%arg8 : memref<1x21843xf32, #tpu.memory_space<vmem>>) target_semaphore(%arg13 : memref<!tpu.dma_semaphore, #tpu.memory_space<semaphore_mem>>)
    %add3A_66 = arith.constant 1 : i32
    %add3A_67 = arith.addi %mul3A_2, %add3A_66 : i32
    %dma_wait3A_68 = arith.constant 0 : i32
    %dma_wait3A_69 = tpu.memref_slice %arg2[%add3A_67, %dma_wait3A_68] : memref<1024x21843xf32, #tpu.memory_space<hbm>> -> memref<1x21843xf32, #tpu.memory_space<hbm>>
    %dma_wait3A_70 = arith.constant 0 : i32
    %dma_wait3A_71 = tpu.memref_slice %arg2[%add3A_67, %dma_wait3A_70] : memref<1024x21843xf32, #tpu.memory_space<hbm>> -> memref<1x21843xf32, #tpu.memory_space<hbm>>
    tpu.wait_dma2 semaphore(%arg11 : memref<!tpu.dma_semaphore, #tpu.memory_space<semaphore_mem>>) src(%dma_wait3A_71 : memref<1x21843xf32, #tpu.memory_space<hbm>>) dst(%arg6 : memref<1x21843xf32, #tpu.memory_space<vmem>>)
    %get3A_72 = arith.constant 0 : i32
    %get3A_73 = arith.index_cast %get3A_72 : i32 to index
    %get3A_74 = arith.constant 0 : index
    %get3A_75 = tpu.vector_load %arg6[%get3A_73, %get3A_74] {strides = array<i32>} : memref<1x21843xf32, #tpu.memory_space<vmem>>, vector<16xf32>,
    %get3A_76 = arith.constant 0 : index
    %get3A_77 = tpu.vector_load %arg9[%get3A_76] {strides = array<i32>} : memref<21888xi32, #tpu.memory_space<vmem>>, vector<16xi32>,
    %neg3A_78 = arith.constant 0.000000e+00 : f32
    %neg3A_79 = vector.broadcast %neg3A_78 : f32 to vector<16xf32>
    %neg3A_80 = arith.subf %neg3A_79, %get3A_75 : vector<16xf32>
    %ge3A_81 = arith.constant 1 : i32
    %ge3A_82 = vector.broadcast %ge3A_81 : i32 to vector<16xi32>
    %ge3A_83 = arith.cmpi sge, %iota3A, %ge3A_82 : vector<16xi32>
    tpu.vector_store_idx %arg6[%broadcast_in_dim3A_3, %get3A_77], %neg3A_80 masked %ge3A_83 {add = true} : memref<1x21843xf32, #tpu.memory_space<vmem>>[vector<16xi32>, vector<16xi32>], vector<16xf32>, vector<16xi1>
    %parallel_loop3A_84 = arith.constant 1 : i32
    %parallel_loop3A_85 = arith.constant 1365 : i32
    %parallel_loop3A_86 = arith.constant 1 : i32
    scf.for %parallel_loop3A_479 = %parallel_loop3A_84 to %parallel_loop3A_85 step %parallel_loop3A_86  : i32 {
      %parallel_loop3A_480 = arith.constant 16 : i32
      %parallel_loop3A_481 = arith.muli %parallel_loop3A_479, %parallel_loop3A_480 : i32
      %parallel_loop3A_482 = arith.constant 0 : i32
      %parallel_loop3A_483 = arith.index_cast %parallel_loop3A_482 : i32 to index
      %parallel_loop3A_484 = arith.index_cast %parallel_loop3A_481 : i32 to index
      %parallel_loop3A_485 = tpu.vector_load %arg6[%parallel_loop3A_483, %parallel_loop3A_484] {strides = array<i32>} : memref<1x21843xf32, #tpu.memory_space<vmem>>, vector<16xf32>,
      %parallel_loop3A_486 = arith.index_cast %parallel_loop3A_481 : i32 to index
      %parallel_loop3A_487 = tpu.vector_load %arg9[%parallel_loop3A_486] {strides = array<i32>} : memref<21888xi32, #tpu.memory_space<vmem>>, vector<16xi32>,
      %parallel_loop3A_488 = arith.constant 0.000000e+00 : f32
      %parallel_loop3A_489 = vector.broadcast %parallel_loop3A_488 : f32 to vector<16xf32>
      %parallel_loop3A_490 = arith.subf %parallel_loop3A_489, %parallel_loop3A_485 : vector<16xf32>
      tpu.vector_store_idx %arg6[%broadcast_in_dim3A_3, %parallel_loop3A_487], %parallel_loop3A_490 {add = true} : memref<1x21843xf32, #tpu.memory_space<vmem>>[vector<16xi32>, vector<16xi32>], vector<16xf32>,
    } {sc.loop_unroll_factor = 4 : i64, sc.parallel_access}
    %scan3A_87 = arith.constant 0 : i32
    %scan3A_88 = arith.constant 1365 : i32
    %scan3A_89 = arith.constant 0 : i32
    %scan3A_90 = arith.addi %scan3A_88, %scan3A_89 : i32
    %scan3A_91 = arith.constant 0 : i32
    %add3A_92 = arith.constant 21840 : i32
    %add3A_93 = vector.broadcast %add3A_92 : i32 to vector<16xi32>
    %add3A_94 = arith.addi %add3A_93, %iota3A : vector<16xi32>
    %min3A_95 = arith.constant 21842 : i32
    %min3A_96 = vector.broadcast %min3A_95 : i32 to vector<16xi32>
    %min3A_97 = arith.minsi %add3A_94, %min3A_96 : vector<16xi32>
    %lt3A_98 = arith.constant 3 : i32
    %lt3A_99 = vector.broadcast %lt3A_98 : i32 to vector<16xi32>
    %lt3A_100 = arith.cmpi slt, %iota3A, %lt3A_99 : vector<16xi32>
    %gather3A_101 = tpu.vector_load_idx %arg6[%broadcast_in_dim3A_3, %min3A_97] masked %lt3A_100 : memref<1x21843xf32, #tpu.memory_space<vmem>>[vector<16xi32>, vector<16xi32>], vector<16xf32>, vector<16xi1>
    %get3A_102 = arith.constant 21840 : index
    %get3A_103 = tpu.vector_load %arg9[%get3A_102] {strides = array<i32>} : memref<21888xi32, #tpu.memory_space<vmem>>, vector<16xi32>,
    %neg3A_104 = arith.constant 0.000000e+00 : f32
    %neg3A_105 = vector.broadcast %neg3A_104 : f32 to vector<16xf32>
    %neg3A_106 = arith.subf %neg3A_105, %gather3A_101 : vector<16xf32>
    %lt3A_107 = arith.constant 3 : i32
    %lt3A_108 = vector.broadcast %lt3A_107 : i32 to vector<16xi32>
    %lt3A_109 = arith.cmpi slt, %iota3A, %lt3A_108 : vector<16xi32>
    tpu.vector_store_idx %arg6[%broadcast_in_dim3A_3, %get3A_103], %neg3A_106 masked %lt3A_109 {add = true} : memref<1x21843xf32, #tpu.memory_space<vmem>>[vector<16xi32>, vector<16xi32>], vector<16xf32>, vector<16xi1>
    %dma_start3A_110 = arith.constant 0 : i32
    %dma_start3A_111 = tpu.memref_slice %arg4[%add3A_67, %dma_start3A_110] : memref<1024x21843xf32, #tpu.memory_space<hbm>> -> memref<1x21843xf32, #tpu.memory_space<hbm>>
    %dma_start3A_112 = arith.constant 0 : i32
    %dma_start3A_113 = tpu.memref_slice %arg4[%add3A_67, %dma_start3A_112] : memref<1024x21843xf32, #tpu.memory_space<hbm>> -> memref<1x21843xf32, #tpu.memory_space<hbm>>
    tpu.enqueue_dma source(%arg6 : memref<1x21843xf32, #tpu.memory_space<vmem>>) target(%dma_start3A_113 : memref<1x21843xf32, #tpu.memory_space<hbm>>) target_semaphore(%arg15 : memref<!tpu.dma_semaphore, #tpu.memory_space<semaphore_mem>>)
    %sub3A = arith.constant 1 : i32
    %sub3A_114 = arith.subi %add3A_67, %sub3A : i32
    %dma_wait3A_115 = arith.constant 0 : i32
    %dma_wait3A_116 = tpu.memref_slice %arg4[%sub3A_114, %dma_wait3A_115] : memref<1024x21843xf32, #tpu.memory_space<hbm>> -> memref<1x21843xf32, #tpu.memory_space<hbm>>
    %dma_wait3A_117 = arith.constant 0 : i32
    %dma_wait3A_118 = tpu.memref_slice %arg4[%sub3A_114, %dma_wait3A_117] : memref<1024x21843xf32, #tpu.memory_space<hbm>> -> memref<1x21843xf32, #tpu.memory_space<hbm>>
    tpu.wait_dma2 semaphore(%arg14 : memref<!tpu.dma_semaphore, #tpu.memory_space<semaphore_mem>>) src(%arg5 : memref<1x21843xf32, #tpu.memory_space<vmem>>) dst(%dma_wait3A_118 : memref<1x21843xf32, #tpu.memory_space<hbm>>)
    %add3A_119 = arith.constant 3 : i32
    %add3A_120 = arith.addi %add3A_67, %add3A_119 : i32
    %dma_start3A_121 = arith.constant 0 : i32
    %dma_start3A_122 = tpu.memref_slice %arg2[%add3A_120, %dma_start3A_121] : memref<1024x21843xf32, #tpu.memory_space<hbm>> -> memref<1x21843xf32, #tpu.memory_space<hbm>>
    %dma_start3A_123 = arith.constant 0 : i32
    %dma_start3A_124 = tpu.memref_slice %arg2[%add3A_120, %dma_start3A_123] : memref<1024x21843xf32, #tpu.memory_space<hbm>> -> memref<1x21843xf32, #tpu.memory_space<hbm>>
    tpu.enqueue_dma source(%dma_start3A_124 : memref<1x21843xf32, #tpu.memory_space<hbm>>) target(%arg5 : memref<1x21843xf32, #tpu.memory_space<vmem>>) target_semaphore(%arg10 : memref<!tpu.dma_semaphore, #tpu.memory_space<semaphore_mem>>)
    %add3A_125 = arith.constant 2 : i32
    %add3A_126 = arith.addi %mul3A_2, %add3A_125 : i32
    %dma_wait3A_127 = arith.constant 0 : i32
    %dma_wait3A_128 = tpu.memref_slice %arg2[%add3A_126, %dma_wait3A_127] : memref<1024x21843xf32, #tpu.memory_space<hbm>> -> memref<1x21843xf32, #tpu.memory_space<hbm>>
    %dma_wait3A_129 = arith.constant 0 : i32
    %dma_wait3A_130 = tpu.memref_slice %arg2[%add3A_126, %dma_wait3A_129] : memref<1024x21843xf32, #tpu.memory_space<hbm>> -> memref<1x21843xf32, #tpu.memory_space<hbm>>
    tpu.wait_dma2 semaphore(%arg12 : memref<!tpu.dma_semaphore, #tpu.memory_space<semaphore_mem>>) src(%dma_wait3A_130 : memref<1x21843xf32, #tpu.memory_space<hbm>>) dst(%arg7 : memref<1x21843xf32, #tpu.memory_space<vmem>>)
    %get3A_131 = arith.constant 0 : i32
    %get3A_132 = arith.index_cast %get3A_131 : i32 to index
    %get3A_133 = arith.constant 0 : index
    %get3A_134 = tpu.vector_load %arg7[%get3A_132, %get3A_133] {strides = array<i32>} : memref<1x21843xf32, #tpu.memory_space<vmem>>, vector<16xf32>,
    %get3A_135 = arith.constant 0 : index
    %get3A_136 = tpu.vector_load %arg9[%get3A_135] {strides = array<i32>} : memref<21888xi32, #tpu.memory_space<vmem>>, vector<16xi32>,
    %neg3A_137 = arith.constant 0.000000e+00 : f32
    %neg3A_138 = vector.broadcast %neg3A_137 : f32 to vector<16xf32>
    %neg3A_139 = arith.subf %neg3A_138, %get3A_134 : vector<16xf32>
    %ge3A_140 = arith.constant 1 : i32
    %ge3A_141 = vector.broadcast %ge3A_140 : i32 to vector<16xi32>
    %ge3A_142 = arith.cmpi sge, %iota3A, %ge3A_141 : vector<16xi32>
    tpu.vector_store_idx %arg7[%broadcast_in_dim3A_3, %get3A_136], %neg3A_139 masked %ge3A_142 {add = true} : memref<1x21843xf32, #tpu.memory_space<vmem>>[vector<16xi32>, vector<16xi32>], vector<16xf32>, vector<16xi1>
    %parallel_loop3A_143 = arith.constant 1 : i32
    %parallel_loop3A_144 = arith.constant 1365 : i32
    %parallel_loop3A_145 = arith.constant 1 : i32
    scf.for %parallel_loop3A_479 = %parallel_loop3A_143 to %parallel_loop3A_144 step %parallel_loop3A_145  : i32 {
      %parallel_loop3A_480 = arith.constant 16 : i32
      %parallel_loop3A_481 = arith.muli %parallel_loop3A_479, %parallel_loop3A_480 : i32
      %parallel_loop3A_482 = arith.constant 0 : i32
      %parallel_loop3A_483 = arith.index_cast %parallel_loop3A_482 : i32 to index
      %parallel_loop3A_484 = arith.index_cast %parallel_loop3A_481 : i32 to index
      %parallel_loop3A_485 = tpu.vector_load %arg7[%parallel_loop3A_483, %parallel_loop3A_484] {strides = array<i32>} : memref<1x21843xf32, #tpu.memory_space<vmem>>, vector<16xf32>,
      %parallel_loop3A_486 = arith.index_cast %parallel_loop3A_481 : i32 to index
      %parallel_loop3A_487 = tpu.vector_load %arg9[%parallel_loop3A_486] {strides = array<i32>} : memref<21888xi32, #tpu.memory_space<vmem>>, vector<16xi32>,
      %parallel_loop3A_488 = arith.constant 0.000000e+00 : f32
      %parallel_loop3A_489 = vector.broadcast %parallel_loop3A_488 : f32 to vector<16xf32>
      %parallel_loop3A_490 = arith.subf %parallel_loop3A_489, %parallel_loop3A_485 : vector<16xf32>
      tpu.vector_store_idx %arg7[%broadcast_in_dim3A_3, %parallel_loop3A_487], %parallel_loop3A_490 {add = true} : memref<1x21843xf32, #tpu.memory_space<vmem>>[vector<16xi32>, vector<16xi32>], vector<16xf32>,
    } {sc.loop_unroll_factor = 4 : i64, sc.parallel_access}
    %scan3A_146 = arith.constant 0 : i32
    %scan3A_147 = arith.constant 1365 : i32
    %scan3A_148 = arith.constant 0 : i32
    %scan3A_149 = arith.addi %scan3A_147, %scan3A_148 : i32
    %scan3A_150 = arith.constant 0 : i32
    %add3A_151 = arith.constant 21840 : i32
    %add3A_152 = vector.broadcast %add3A_151 : i32 to vector<16xi32>
    %add3A_153 = arith.addi %add3A_152, %iota3A : vector<16xi32>
    %min3A_154 = arith.constant 21842 : i32
    %min3A_155 = vector.broadcast %min3A_154 : i32 to vector<16xi32>
    %min3A_156 = arith.minsi %add3A_153, %min3A_155 : vector<16xi32>
    %lt3A_157 = arith.constant 3 : i32
    %lt3A_158 = vector.broadcast %lt3A_157 : i32 to vector<16xi32>
    %lt3A_159 = arith.cmpi slt, %iota3A, %lt3A_158 : vector<16xi32>
    %gather3A_160 = tpu.vector_load_idx %arg7[%broadcast_in_dim3A_3, %min3A_156] masked %lt3A_159 : memref<1x21843xf32, #tpu.memory_space<vmem>>[vector<16xi32>, vector<16xi32>], vector<16xf32>, vector<16xi1>
    %get3A_161 = arith.constant 21840 : index
    %get3A_162 = tpu.vector_load %arg9[%get3A_161] {strides = array<i32>} : memref<21888xi32, #tpu.memory_space<vmem>>, vector<16xi32>,
    %neg3A_163 = arith.constant 0.000000e+00 : f32
    %neg3A_164 = vector.broadcast %neg3A_163 : f32 to vector<16xf32>
    %neg3A_165 = arith.subf %neg3A_164, %gather3A_160 : vector<16xf32>
    %lt3A_166 = arith.constant 3 : i32
    %lt3A_167 = vector.broadcast %lt3A_166 : i32 to vector<16xi32>
    %lt3A_168 = arith.cmpi slt, %iota3A, %lt3A_167 : vector<16xi32>
    tpu.vector_store_idx %arg7[%broadcast_in_dim3A_3, %get3A_162], %neg3A_165 masked %lt3A_168 {add = true} : memref<1x21843xf32, #tpu.memory_space<vmem>>[vector<16xi32>, vector<16xi32>], vector<16xf32>, vector<16xi1>
    %dma_start3A_169 = arith.constant 0 : i32
    %dma_start3A_170 = tpu.memref_slice %arg4[%add3A_126, %dma_start3A_169] : memref<1024x21843xf32, #tpu.memory_space<hbm>> -> memref<1x21843xf32, #tpu.memory_space<hbm>>
    %dma_start3A_171 = arith.constant 0 : i32
    %dma_start3A_172 = tpu.memref_slice %arg4[%add3A_126, %dma_start3A_171] : memref<1024x21843xf32, #tpu.memory_space<hbm>> -> memref<1x21843xf32, #tpu.memory_space<hbm>>
    tpu.enqueue_dma source(%arg7 : memref<1x21843xf32, #tpu.memory_space<vmem>>) target(%dma_start3A_172 : memref<1x21843xf32, #tpu.memory_space<hbm>>) target_semaphore(%arg16 : memref<!tpu.dma_semaphore, #tpu.memory_space<semaphore_mem>>)
    %sub3A_173 = arith.constant 1 : i32
    %sub3A_174 = arith.subi %add3A_126, %sub3A_173 : i32
    %dma_wait3A_175 = arith.constant 0 : i32
    %dma_wait3A_176 = tpu.memref_slice %arg4[%sub3A_174, %dma_wait3A_175] : memref<1024x21843xf32, #tpu.memory_space<hbm>> -> memref<1x21843xf32, #tpu.memory_space<hbm>>
    %dma_wait3A_177 = arith.constant 0 : i32
    %dma_wait3A_178 = tpu.memref_slice %arg4[%sub3A_174, %dma_wait3A_177] : memref<1024x21843xf32, #tpu.memory_space<hbm>> -> memref<1x21843xf32, #tpu.memory_space<hbm>>
    tpu.wait_dma2 semaphore(%arg15 : memref<!tpu.dma_semaphore, #tpu.memory_space<semaphore_mem>>) src(%arg6 : memref<1x21843xf32, #tpu.memory_space<vmem>>) dst(%dma_wait3A_178 : memref<1x21843xf32, #tpu.memory_space<hbm>>)
    %add3A_179 = arith.constant 3 : i32
    %add3A_180 = arith.addi %add3A_126, %add3A_179 : i32
    %dma_start3A_181 = arith.constant 0 : i32
    %dma_start3A_182 = tpu.memref_slice %arg2[%add3A_180, %dma_start3A_181] : memref<1024x21843xf32, #tpu.memory_space<hbm>> -> memref<1x21843xf32, #tpu.memory_space<hbm>>
    %dma_start3A_183 = arith.constant 0 : i32
    %dma_start3A_184 = tpu.memref_slice %arg2[%add3A_180, %dma_start3A_183] : memref<1024x21843xf32, #tpu.memory_space<hbm>> -> memref<1x21843xf32, #tpu.memory_space<hbm>>
    tpu.enqueue_dma source(%dma_start3A_184 : memref<1x21843xf32, #tpu.memory_space<hbm>>) target(%arg6 : memref<1x21843xf32, #tpu.memory_space<vmem>>) target_semaphore(%arg11 : memref<!tpu.dma_semaphore, #tpu.memory_space<semaphore_mem>>)
    %add3A_185 = arith.constant 3 : i32
    %add3A_186 = arith.addi %mul3A_2, %add3A_185 : i32
    %dma_wait3A_187 = arith.constant 0 : i32
    %dma_wait3A_188 = tpu.memref_slice %arg2[%add3A_186, %dma_wait3A_187] : memref<1024x21843xf32, #tpu.memory_space<hbm>> -> memref<1x21843xf32, #tpu.memory_space<hbm>>
    %dma_wait3A_189 = arith.constant 0 : i32
    %dma_wait3A_190 = tpu.memref_slice %arg2[%add3A_186, %dma_wait3A_189] : memref<1024x21843xf32, #tpu.memory_space<hbm>> -> memref<1x21843xf32, #tpu.memory_space<hbm>>
    tpu.wait_dma2 semaphore(%arg13 : memref<!tpu.dma_semaphore, #tpu.memory_space<semaphore_mem>>) src(%dma_wait3A_190 : memref<1x21843xf32, #tpu.memory_space<hbm>>) dst(%arg8 : memref<1x21843xf32, #tpu.memory_space<vmem>>)
    %get3A_191 = arith.constant 0 : i32
    %get3A_192 = arith.index_cast %get3A_191 : i32 to index
    %get3A_193 = arith.constant 0 : index
    %get3A_194 = tpu.vector_load %arg8[%get3A_192, %get3A_193] {strides = array<i32>} : memref<1x21843xf32, #tpu.memory_space<vmem>>, vector<16xf32>,
    %get3A_195 = arith.constant 0 : index
    %get3A_196 = tpu.vector_load %arg9[%get3A_195] {strides = array<i32>} : memref<21888xi32, #tpu.memory_space<vmem>>, vector<16xi32>,
    %neg3A_197 = arith.constant 0.000000e+00 : f32
    %neg3A_198 = vector.broadcast %neg3A_197 : f32 to vector<16xf32>
    %neg3A_199 = arith.subf %neg3A_198, %get3A_194 : vector<16xf32>
    %ge3A_200 = arith.constant 1 : i32
    %ge3A_201 = vector.broadcast %ge3A_200 : i32 to vector<16xi32>
    %ge3A_202 = arith.cmpi sge, %iota3A, %ge3A_201 : vector<16xi32>
    tpu.vector_store_idx %arg8[%broadcast_in_dim3A_3, %get3A_196], %neg3A_199 masked %ge3A_202 {add = true} : memref<1x21843xf32, #tpu.memory_space<vmem>>[vector<16xi32>, vector<16xi32>], vector<16xf32>, vector<16xi1>
    %parallel_loop3A_203 = arith.constant 1 : i32
    %parallel_loop3A_204 = arith.constant 1365 : i32
    %parallel_loop3A_205 = arith.constant 1 : i32
    scf.for %parallel_loop3A_479 = %parallel_loop3A_203 to %parallel_loop3A_204 step %parallel_loop3A_205  : i32 {
      %parallel_loop3A_480 = arith.constant 16 : i32
      %parallel_loop3A_481 = arith.muli %parallel_loop3A_479, %parallel_loop3A_480 : i32
      %parallel_loop3A_482 = arith.constant 0 : i32
      %parallel_loop3A_483 = arith.index_cast %parallel_loop3A_482 : i32 to index
      %parallel_loop3A_484 = arith.index_cast %parallel_loop3A_481 : i32 to index
      %parallel_loop3A_485 = tpu.vector_load %arg8[%parallel_loop3A_483, %parallel_loop3A_484] {strides = array<i32>} : memref<1x21843xf32, #tpu.memory_space<vmem>>, vector<16xf32>,
      %parallel_loop3A_486 = arith.index_cast %parallel_loop3A_481 : i32 to index
      %parallel_loop3A_487 = tpu.vector_load %arg9[%parallel_loop3A_486] {strides = array<i32>} : memref<21888xi32, #tpu.memory_space<vmem>>, vector<16xi32>,
      %parallel_loop3A_488 = arith.constant 0.000000e+00 : f32
      %parallel_loop3A_489 = vector.broadcast %parallel_loop3A_488 : f32 to vector<16xf32>
      %parallel_loop3A_490 = arith.subf %parallel_loop3A_489, %parallel_loop3A_485 : vector<16xf32>
      tpu.vector_store_idx %arg8[%broadcast_in_dim3A_3, %parallel_loop3A_487], %parallel_loop3A_490 {add = true} : memref<1x21843xf32, #tpu.memory_space<vmem>>[vector<16xi32>, vector<16xi32>], vector<16xf32>,
    } {sc.loop_unroll_factor = 4 : i64, sc.parallel_access}
    %scan3A_206 = arith.constant 0 : i32
    %scan3A_207 = arith.constant 1365 : i32
    %scan3A_208 = arith.constant 0 : i32
    %scan3A_209 = arith.addi %scan3A_207, %scan3A_208 : i32
    %scan3A_210 = arith.constant 0 : i32
    %add3A_211 = arith.constant 21840 : i32
    %add3A_212 = vector.broadcast %add3A_211 : i32 to vector<16xi32>
    %add3A_213 = arith.addi %add3A_212, %iota3A : vector<16xi32>
    %min3A_214 = arith.constant 21842 : i32
    %min3A_215 = vector.broadcast %min3A_214 : i32 to vector<16xi32>
    %min3A_216 = arith.minsi %add3A_213, %min3A_215 : vector<16xi32>
    %lt3A_217 = arith.constant 3 : i32
    %lt3A_218 = vector.broadcast %lt3A_217 : i32 to vector<16xi32>
    %lt3A_219 = arith.cmpi slt, %iota3A, %lt3A_218 : vector<16xi32>
    %gather3A_220 = tpu.vector_load_idx %arg8[%broadcast_in_dim3A_3, %min3A_216] masked %lt3A_219 : memref<1x21843xf32, #tpu.memory_space<vmem>>[vector<16xi32>, vector<16xi32>], vector<16xf32>, vector<16xi1>
    %get3A_221 = arith.constant 21840 : index
    %get3A_222 = tpu.vector_load %arg9[%get3A_221] {strides = array<i32>} : memref<21888xi32, #tpu.memory_space<vmem>>, vector<16xi32>,
    %neg3A_223 = arith.constant 0.000000e+00 : f32
    %neg3A_224 = vector.broadcast %neg3A_223 : f32 to vector<16xf32>
    %neg3A_225 = arith.subf %neg3A_224, %gather3A_220 : vector<16xf32>
    %lt3A_226 = arith.constant 3 : i32
    %lt3A_227 = vector.broadcast %lt3A_226 : i32 to vector<16xi32>
    %lt3A_228 = arith.cmpi slt, %iota3A, %lt3A_227 : vector<16xi32>
    tpu.vector_store_idx %arg8[%broadcast_in_dim3A_3, %get3A_222], %neg3A_225 masked %lt3A_228 {add = true} : memref<1x21843xf32, #tpu.memory_space<vmem>>[vector<16xi32>, vector<16xi32>], vector<16xf32>, vector<16xi1>
    %dma_start3A_229 = arith.constant 0 : i32
    %dma_start3A_230 = tpu.memref_slice %arg4[%add3A_186, %dma_start3A_229] : memref<1024x21843xf32, #tpu.memory_space<hbm>> -> memref<1x21843xf32, #tpu.memory_space<hbm>>
    %dma_start3A_231 = arith.constant 0 : i32
    %dma_start3A_232 = tpu.memref_slice %arg4[%add3A_186, %dma_start3A_231] : memref<1024x21843xf32, #tpu.memory_space<hbm>> -> memref<1x21843xf32, #tpu.memory_space<hbm>>
    tpu.enqueue_dma source(%arg8 : memref<1x21843xf32, #tpu.memory_space<vmem>>) target(%dma_start3A_232 : memref<1x21843xf32, #tpu.memory_space<hbm>>) target_semaphore(%arg17 : memref<!tpu.dma_semaphore, #tpu.memory_space<semaphore_mem>>)
    %sub3A_233 = arith.constant 1 : i32
    %sub3A_234 = arith.subi %add3A_186, %sub3A_233 : i32
    %dma_wait3A_235 = arith.constant 0 : i32
    %dma_wait3A_236 = tpu.memref_slice %arg4[%sub3A_234, %dma_wait3A_235] : memref<1024x21843xf32, #tpu.memory_space<hbm>> -> memref<1x21843xf32, #tpu.memory_space<hbm>>
    %dma_wait3A_237 = arith.constant 0 : i32
    %dma_wait3A_238 = tpu.memref_slice %arg4[%sub3A_234, %dma_wait3A_237] : memref<1024x21843xf32, #tpu.memory_space<hbm>> -> memref<1x21843xf32, #tpu.memory_space<hbm>>
    tpu.wait_dma2 semaphore(%arg16 : memref<!tpu.dma_semaphore, #tpu.memory_space<semaphore_mem>>) src(%arg7 : memref<1x21843xf32, #tpu.memory_space<vmem>>) dst(%dma_wait3A_238 : memref<1x21843xf32, #tpu.memory_space<hbm>>)
    %add3A_239 = arith.constant 3 : i32
    %add3A_240 = arith.addi %add3A_186, %add3A_239 : i32
    %dma_start3A_241 = arith.constant 0 : i32
    %dma_start3A_242 = tpu.memref_slice %arg2[%add3A_240, %dma_start3A_241] : memref<1024x21843xf32, #tpu.memory_space<hbm>> -> memref<1x21843xf32, #tpu.memory_space<hbm>>
    %dma_start3A_243 = arith.constant 0 : i32
    %dma_start3A_244 = tpu.memref_slice %arg2[%add3A_240, %dma_start3A_243] : memref<1024x21843xf32, #tpu.memory_space<hbm>> -> memref<1x21843xf32, #tpu.memory_space<hbm>>
    tpu.enqueue_dma source(%dma_start3A_244 : memref<1x21843xf32, #tpu.memory_space<hbm>>) target(%arg7 : memref<1x21843xf32, #tpu.memory_space<vmem>>) target_semaphore(%arg12 : memref<!tpu.dma_semaphore, #tpu.memory_space<semaphore_mem>>)
    %scan3A_245 = arith.constant 0 : i32
    %scan3A_246 = arith.constant 1 : i32
    %scan3A_247 = arith.constant 6 : i32
    %scan3A_248 = arith.addi %scan3A_246, %scan3A_247 : i32
    %scan3A_249 = arith.constant 1 : i32
    scf.for %scan3A_479 = %scan3A_246 to %scan3A_248 step %scan3A_249  : i32 {
      %mul3A_480 = arith.constant 4 : i32
      %mul3A_481 = arith.muli %scan3A_479, %mul3A_480 : i32
      %add3A_482 = arith.addi %mul3A_2, %mul3A_481 : i32
      %add3A_483 = arith.constant 0 : i32
      %add3A_484 = arith.addi %add3A_482, %add3A_483 : i32
      %dma_wait3A_485 = arith.constant 0 : i32
      %dma_wait3A_486 = tpu.memref_slice %arg2[%add3A_484, %dma_wait3A_485] : memref<1024x21843xf32, #tpu.memory_space<hbm>> -> memref<1x21843xf32, #tpu.memory_space<hbm>>
      %dma_wait3A_487 = arith.constant 0 : i32
      %dma_wait3A_488 = tpu.memref_slice %arg2[%add3A_484, %dma_wait3A_487] : memref<1024x21843xf32, #tpu.memory_space<hbm>> -> memref<1x21843xf32, #tpu.memory_space<hbm>>
      tpu.wait_dma2 semaphore(%arg10 : memref<!tpu.dma_semaphore, #tpu.memory_space<semaphore_mem>>) src(%dma_wait3A_488 : memref<1x21843xf32, #tpu.memory_space<hbm>>) dst(%arg5 : memref<1x21843xf32, #tpu.memory_space<vmem>>)
      %get3A_489 = arith.constant 0 : i32
      %get3A_490 = arith.index_cast %get3A_489 : i32 to index
      %get3A_491 = arith.constant 0 : index
      %get3A_492 = tpu.vector_load %arg5[%get3A_490, %get3A_491] {strides = array<i32>} : memref<1x21843xf32, #tpu.memory_space<vmem>>, vector<16xf32>,
      %get3A_493 = arith.constant 0 : index
      %get3A_494 = tpu.vector_load %arg9[%get3A_493] {strides = array<i32>} : memref<21888xi32, #tpu.memory_space<vmem>>, vector<16xi32>,
      %neg3A_495 = arith.constant 0.000000e+00 : f32
      %neg3A_496 = vector.broadcast %neg3A_495 : f32 to vector<16xf32>
      %neg3A_497 = arith.subf %neg3A_496, %get3A_492 : vector<16xf32>
      %ge3A_498 = arith.constant 1 : i32
      %ge3A_499 = vector.broadcast %ge3A_498 : i32 to vector<16xi32>
      %ge3A_500 = arith.cmpi sge, %iota3A, %ge3A_499 : vector<16xi32>
      tpu.vector_store_idx %arg5[%broadcast_in_dim3A_3, %get3A_494], %neg3A_497 masked %ge3A_500 {add = true} : memref<1x21843xf32, #tpu.memory_space<vmem>>[vector<16xi32>, vector<16xi32>], vector<16xf32>, vector<16xi1>
      %parallel_loop3A_501 = arith.constant 1 : i32
      %parallel_loop3A_502 = arith.constant 1365 : i32
      %parallel_loop3A_503 = arith.constant 1 : i32
      scf.for %parallel_loop3A_723 = %parallel_loop3A_501 to %parallel_loop3A_502 step %parallel_loop3A_503  : i32 {
        %parallel_loop3A_724 = arith.constant 16 : i32
        %parallel_loop3A_725 = arith.muli %parallel_loop3A_723, %parallel_loop3A_724 : i32
        %parallel_loop3A_726 = arith.constant 0 : i32
        %parallel_loop3A_727 = arith.index_cast %parallel_loop3A_726 : i32 to index
        %parallel_loop3A_728 = arith.index_cast %parallel_loop3A_725 : i32 to index
        %parallel_loop3A_729 = tpu.vector_load %arg5[%parallel_loop3A_727, %parallel_loop3A_728] {strides = array<i32>} : memref<1x21843xf32, #tpu.memory_space<vmem>>, vector<16xf32>,
        %parallel_loop3A_730 = arith.index_cast %parallel_loop3A_725 : i32 to index
        %parallel_loop3A_731 = tpu.vector_load %arg9[%parallel_loop3A_730] {strides = array<i32>} : memref<21888xi32, #tpu.memory_space<vmem>>, vector<16xi32>,
        %parallel_loop3A_732 = arith.constant 0.000000e+00 : f32
        %parallel_loop3A_733 = vector.broadcast %parallel_loop3A_732 : f32 to vector<16xf32>
        %parallel_loop3A_734 = arith.subf %parallel_loop3A_733, %parallel_loop3A_729 : vector<16xf32>
        tpu.vector_store_idx %arg5[%broadcast_in_dim3A_3, %parallel_loop3A_731], %parallel_loop3A_734 {add = true} : memref<1x21843xf32, #tpu.memory_space<vmem>>[vector<16xi32>, vector<16xi32>], vector<16xf32>,
      } {sc.loop_unroll_factor = 4 : i64, sc.parallel_access}
      %scan3A_504 = arith.constant 0 : i32
      %scan3A_505 = arith.constant 1365 : i32
      %scan3A_506 = arith.constant 0 : i32
      %scan3A_507 = arith.addi %scan3A_505, %scan3A_506 : i32
      %scan3A_508 = arith.constant 0 : i32
      %add3A_509 = arith.constant 21840 : i32
      %add3A_510 = vector.broadcast %add3A_509 : i32 to vector<16xi32>
      %add3A_511 = arith.addi %add3A_510, %iota3A : vector<16xi32>
      %min3A_512 = arith.constant 21842 : i32
      %min3A_513 = vector.broadcast %min3A_512 : i32 to vector<16xi32>
      %min3A_514 = arith.minsi %add3A_511, %min3A_513 : vector<16xi32>
      %lt3A_515 = arith.constant 3 : i32
      %lt3A_516 = vector.broadcast %lt3A_515 : i32 to vector<16xi32>
      %lt3A_517 = arith.cmpi slt, %iota3A, %lt3A_516 : vector<16xi32>
      %gather3A_518 = tpu.vector_load_idx %arg5[%broadcast_in_dim3A_3, %min3A_514] masked %lt3A_517 : memref<1x21843xf32, #tpu.memory_space<vmem>>[vector<16xi32>, vector<16xi32>], vector<16xf32>, vector<16xi1>
      %get3A_519 = arith.constant 21840 : index
      %get3A_520 = tpu.vector_load %arg9[%get3A_519] {strides = array<i32>} : memref<21888xi32, #tpu.memory_space<vmem>>, vector<16xi32>,
      %neg3A_521 = arith.constant 0.000000e+00 : f32
      %neg3A_522 = vector.broadcast %neg3A_521 : f32 to vector<16xf32>
      %neg3A_523 = arith.subf %neg3A_522, %gather3A_518 : vector<16xf32>
      %lt3A_524 = arith.constant 3 : i32
      %lt3A_525 = vector.broadcast %lt3A_524 : i32 to vector<16xi32>
      %lt3A_526 = arith.cmpi slt, %iota3A, %lt3A_525 : vector<16xi32>
      tpu.vector_store_idx %arg5[%broadcast_in_dim3A_3, %get3A_520], %neg3A_523 masked %lt3A_526 {add = true} : memref<1x21843xf32, #tpu.memory_space<vmem>>[vector<16xi32>, vector<16xi32>], vector<16xf32>, vector<16xi1>
      %dma_start3A_527 = arith.constant 0 : i32
      %dma_start3A_528 = tpu.memref_slice %arg4[%add3A_484, %dma_start3A_527] : memref<1024x21843xf32, #tpu.memory_space<hbm>> -> memref<1x21843xf32, #tpu.memory_space<hbm>>
      %dma_start3A_529 = arith.constant 0 : i32
      %dma_start3A_530 = tpu.memref_slice %arg4[%add3A_484, %dma_start3A_529] : memref<1024x21843xf32, #tpu.memory_space<hbm>> -> memref<1x21843xf32, #tpu.memory_space<hbm>>
      tpu.enqueue_dma source(%arg5 : memref<1x21843xf32, #tpu.memory_space<vmem>>) target(%dma_start3A_530 : memref<1x21843xf32, #tpu.memory_space<hbm>>) target_semaphore(%arg14 : memref<!tpu.dma_semaphore, #tpu.memory_space<semaphore_mem>>)
      %sub3A_531 = arith.constant 1 : i32
      %sub3A_532 = arith.subi %add3A_484, %sub3A_531 : i32
      %dma_wait3A_533 = arith.constant 0 : i32
      %dma_wait3A_534 = tpu.memref_slice %arg4[%sub3A_532, %dma_wait3A_533] : memref<1024x21843xf32, #tpu.memory_space<hbm>> -> memref<1x21843xf32, #tpu.memory_space<hbm>>
      %dma_wait3A_535 = arith.constant 0 : i32
      %dma_wait3A_536 = tpu.memref_slice %arg4[%sub3A_532, %dma_wait3A_535] : memref<1024x21843xf32, #tpu.memory_space<hbm>> -> memref<1x21843xf32, #tpu.memory_space<hbm>>
      tpu.wait_dma2 semaphore(%arg17 : memref<!tpu.dma_semaphore, #tpu.memory_space<semaphore_mem>>) src(%arg8 : memref<1x21843xf32, #tpu.memory_space<vmem>>) dst(%dma_wait3A_536 : memref<1x21843xf32, #tpu.memory_space<hbm>>)
      %add3A_537 = arith.constant 3 : i32
      %add3A_538 = arith.addi %add3A_484, %add3A_537 : i32
      %dma_start3A_539 = arith.constant 0 : i32
      %dma_start3A_540 = tpu.memref_slice %arg2[%add3A_538, %dma_start3A_539] : memref<1024x21843xf32, #tpu.memory_space<hbm>> -> memref<1x21843xf32, #tpu.memory_space<hbm>>
      %dma_start3A_541 = arith.constant 0 : i32
      %dma_start3A_542 = tpu.memref_slice %arg2[%add3A_538, %dma_start3A_541] : memref<1024x21843xf32, #tpu.memory_space<hbm>> -> memref<1x21843xf32, #tpu.memory_space<hbm>>
      tpu.enqueue_dma source(%dma_start3A_542 : memref<1x21843xf32, #tpu.memory_space<hbm>>) target(%arg8 : memref<1x21843xf32, #tpu.memory_space<vmem>>) target_semaphore(%arg13 : memref<!tpu.dma_semaphore, #tpu.memory_space<semaphore_mem>>)
      %add3A_543 = arith.constant 1 : i32
      %add3A_544 = arith.addi %add3A_482, %add3A_543 : i32
      %dma_wait3A_545 = arith.constant 0 : i32
      %dma_wait3A_546 = tpu.memref_slice %arg2[%add3A_544, %dma_wait3A_545] : memref<1024x21843xf32, #tpu.memory_space<hbm>> -> memref<1x21843xf32, #tpu.memory_space<hbm>>
      %dma_wait3A_547 = arith.constant 0 : i32
      %dma_wait3A_548 = tpu.memref_slice %arg2[%add3A_544, %dma_wait3A_547] : memref<1024x21843xf32, #tpu.memory_space<hbm>> -> memref<1x21843xf32, #tpu.memory_space<hbm>>
      tpu.wait_dma2 semaphore(%arg11 : memref<!tpu.dma_semaphore, #tpu.memory_space<semaphore_mem>>) src(%dma_wait3A_548 : memref<1x21843xf32, #tpu.memory_space<hbm>>) dst(%arg6 : memref<1x21843xf32, #tpu.memory_space<vmem>>)
      %get3A_549 = arith.constant 0 : i32
      %get3A_550 = arith.index_cast %get3A_549 : i32 to index
      %get3A_551 = arith.constant 0 : index
      %get3A_552 = tpu.vector_load %arg6[%get3A_550, %get3A_551] {strides = array<i32>} : memref<1x21843xf32, #tpu.memory_space<vmem>>, vector<16xf32>,
      %get3A_553 = arith.constant 0 : index
      %get3A_554 = tpu.vector_load %arg9[%get3A_553] {strides = array<i32>} : memref<21888xi32, #tpu.memory_space<vmem>>, vector<16xi32>,
      %neg3A_555 = arith.constant 0.000000e+00 : f32
      %neg3A_556 = vector.broadcast %neg3A_555 : f32 to vector<16xf32>
      %neg3A_557 = arith.subf %neg3A_556, %get3A_552 : vector<16xf32>
      %ge3A_558 = arith.constant 1 : i32
      %ge3A_559 = vector.broadcast %ge3A_558 : i32 to vector<16xi32>
      %ge3A_560 = arith.cmpi sge, %iota3A, %ge3A_559 : vector<16xi32>
      tpu.vector_store_idx %arg6[%broadcast_in_dim3A_3, %get3A_554], %neg3A_557 masked %ge3A_560 {add = true} : memref<1x21843xf32, #tpu.memory_space<vmem>>[vector<16xi32>, vector<16xi32>], vector<16xf32>, vector<16xi1>
      %parallel_loop3A_561 = arith.constant 1 : i32
      %parallel_loop3A_562 = arith.constant 1365 : i32
      %parallel_loop3A_563 = arith.constant 1 : i32
      scf.for %parallel_loop3A_723 = %parallel_loop3A_561 to %parallel_loop3A_562 step %parallel_loop3A_563  : i32 {
        %parallel_loop3A_724 = arith.constant 16 : i32
        %parallel_loop3A_725 = arith.muli %parallel_loop3A_723, %parallel_loop3A_724 : i32
        %parallel_loop3A_726 = arith.constant 0 : i32
        %parallel_loop3A_727 = arith.index_cast %parallel_loop3A_726 : i32 to index
        %parallel_loop3A_728 = arith.index_cast %parallel_loop3A_725 : i32 to index
        %parallel_loop3A_729 = tpu.vector_load %arg6[%parallel_loop3A_727, %parallel_loop3A_728] {strides = array<i32>} : memref<1x21843xf32, #tpu.memory_space<vmem>>, vector<16xf32>,
        %parallel_loop3A_730 = arith.index_cast %parallel_loop3A_725 : i32 to index
        %parallel_loop3A_731 = tpu.vector_load %arg9[%parallel_loop3A_730] {strides = array<i32>} : memref<21888xi32, #tpu.memory_space<vmem>>, vector<16xi32>,
        %parallel_loop3A_732 = arith.constant 0.000000e+00 : f32
        %parallel_loop3A_733 = vector.broadcast %parallel_loop3A_732 : f32 to vector<16xf32>
        %parallel_loop3A_734 = arith.subf %parallel_loop3A_733, %parallel_loop3A_729 : vector<16xf32>
        tpu.vector_store_idx %arg6[%broadcast_in_dim3A_3, %parallel_loop3A_731], %parallel_loop3A_734 {add = true} : memref<1x21843xf32, #tpu.memory_space<vmem>>[vector<16xi32>, vector<16xi32>], vector<16xf32>,
      } {sc.loop_unroll_factor = 4 : i64, sc.parallel_access}
      %scan3A_564 = arith.constant 0 : i32
      %scan3A_565 = arith.constant 1365 : i32
      %scan3A_566 = arith.constant 0 : i32
      %scan3A_567 = arith.addi %scan3A_565, %scan3A_566 : i32
      %scan3A_568 = arith.constant 0 : i32
      %add3A_569 = arith.constant 21840 : i32
      %add3A_570 = vector.broadcast %add3A_569 : i32 to vector<16xi32>
      %add3A_571 = arith.addi %add3A_570, %iota3A : vector<16xi32>
      %min3A_572 = arith.constant 21842 : i32
      %min3A_573 = vector.broadcast %min3A_572 : i32 to vector<16xi32>
      %min3A_574 = arith.minsi %add3A_571, %min3A_573 : vector<16xi32>
      %lt3A_575 = arith.constant 3 : i32
      %lt3A_576 = vector.broadcast %lt3A_575 : i32 to vector<16xi32>
      %lt3A_577 = arith.cmpi slt, %iota3A, %lt3A_576 : vector<16xi32>
      %gather3A_578 = tpu.vector_load_idx %arg6[%broadcast_in_dim3A_3, %min3A_574] masked %lt3A_577 : memref<1x21843xf32, #tpu.memory_space<vmem>>[vector<16xi32>, vector<16xi32>], vector<16xf32>, vector<16xi1>
      %get3A_579 = arith.constant 21840 : index
      %get3A_580 = tpu.vector_load %arg9[%get3A_579] {strides = array<i32>} : memref<21888xi32, #tpu.memory_space<vmem>>, vector<16xi32>,
      %neg3A_581 = arith.constant 0.000000e+00 : f32
      %neg3A_582 = vector.broadcast %neg3A_581 : f32 to vector<16xf32>
      %neg3A_583 = arith.subf %neg3A_582, %gather3A_578 : vector<16xf32>
      %lt3A_584 = arith.constant 3 : i32
      %lt3A_585 = vector.broadcast %lt3A_584 : i32 to vector<16xi32>
      %lt3A_586 = arith.cmpi slt, %iota3A, %lt3A_585 : vector<16xi32>
      tpu.vector_store_idx %arg6[%broadcast_in_dim3A_3, %get3A_580], %neg3A_583 masked %lt3A_586 {add = true} : memref<1x21843xf32, #tpu.memory_space<vmem>>[vector<16xi32>, vector<16xi32>], vector<16xf32>, vector<16xi1>
      %dma_start3A_587 = arith.constant 0 : i32
      %dma_start3A_588 = tpu.memref_slice %arg4[%add3A_544, %dma_start3A_587] : memref<1024x21843xf32, #tpu.memory_space<hbm>> -> memref<1x21843xf32, #tpu.memory_space<hbm>>
      %dma_start3A_589 = arith.constant 0 : i32
      %dma_start3A_590 = tpu.memref_slice %arg4[%add3A_544, %dma_start3A_589] : memref<1024x21843xf32, #tpu.memory_space<hbm>> -> memref<1x21843xf32, #tpu.memory_space<hbm>>
      tpu.enqueue_dma source(%arg6 : memref<1x21843xf32, #tpu.memory_space<vmem>>) target(%dma_start3A_590 : memref<1x21843xf32, #tpu.memory_space<hbm>>) target_semaphore(%arg15 : memref<!tpu.dma_semaphore, #tpu.memory_space<semaphore_mem>>)
      %sub3A_591 = arith.constant 1 : i32
      %sub3A_592 = arith.subi %add3A_544, %sub3A_591 : i32
      %dma_wait3A_593 = arith.constant 0 : i32
      %dma_wait3A_594 = tpu.memref_slice %arg4[%sub3A_592, %dma_wait3A_593] : memref<1024x21843xf32, #tpu.memory_space<hbm>> -> memref<1x21843xf32, #tpu.memory_space<hbm>>
      %dma_wait3A_595 = arith.constant 0 : i32
      %dma_wait3A_596 = tpu.memref_slice %arg4[%sub3A_592, %dma_wait3A_595] : memref<1024x21843xf32, #tpu.memory_space<hbm>> -> memref<1x21843xf32, #tpu.memory_space<hbm>>
      tpu.wait_dma2 semaphore(%arg14 : memref<!tpu.dma_semaphore, #tpu.memory_space<semaphore_mem>>) src(%arg5 : memref<1x21843xf32, #tpu.memory_space<vmem>>) dst(%dma_wait3A_596 : memref<1x21843xf32, #tpu.memory_space<hbm>>)
      %add3A_597 = arith.constant 3 : i32
      %add3A_598 = arith.addi %add3A_544, %add3A_597 : i32
      %dma_start3A_599 = arith.constant 0 : i32
      %dma_start3A_600 = tpu.memref_slice %arg2[%add3A_598, %dma_start3A_599] : memref<1024x21843xf32, #tpu.memory_space<hbm>> -> memref<1x21843xf32, #tpu.memory_space<hbm>>
      %dma_start3A_601 = arith.constant 0 : i32
      %dma_start3A_602 = tpu.memref_slice %arg2[%add3A_598, %dma_start3A_601] : memref<1024x21843xf32, #tpu.memory_space<hbm>> -> memref<1x21843xf32, #tpu.memory_space<hbm>>
      tpu.enqueue_dma source(%dma_start3A_602 : memref<1x21843xf32, #tpu.memory_space<hbm>>) target(%arg5 : memref<1x21843xf32, #tpu.memory_space<vmem>>) target_semaphore(%arg10 : memref<!tpu.dma_semaphore, #tpu.memory_space<semaphore_mem>>)
      %add3A_603 = arith.constant 2 : i32
      %add3A_604 = arith.addi %add3A_482, %add3A_603 : i32
      %dma_wait3A_605 = arith.constant 0 : i32
      %dma_wait3A_606 = tpu.memref_slice %arg2[%add3A_604, %dma_wait3A_605] : memref<1024x21843xf32, #tpu.memory_space<hbm>> -> memref<1x21843xf32, #tpu.memory_space<hbm>>
      %dma_wait3A_607 = arith.constant 0 : i32
      %dma_wait3A_608 = tpu.memref_slice %arg2[%add3A_604, %dma_wait3A_607] : memref<1024x21843xf32, #tpu.memory_space<hbm>> -> memref<1x21843xf32, #tpu.memory_space<hbm>>
      tpu.wait_dma2 semaphore(%arg12 : memref<!tpu.dma_semaphore, #tpu.memory_space<semaphore_mem>>) src(%dma_wait3A_608 : memref<1x21843xf32, #tpu.memory_space<hbm>>) dst(%arg7 : memref<1x21843xf32, #tpu.memory_space<vmem>>)
      %get3A_609 = arith.constant 0 : i32
      %get3A_610 = arith.index_cast %get3A_609 : i32 to index
      %get3A_611 = arith.constant 0 : index
      %get3A_612 = tpu.vector_load %arg7[%get3A_610, %get3A_611] {strides = array<i32>} : memref<1x21843xf32, #tpu.memory_space<vmem>>, vector<16xf32>,
      %get3A_613 = arith.constant 0 : index
      %get3A_614 = tpu.vector_load %arg9[%get3A_613] {strides = array<i32>} : memref<21888xi32, #tpu.memory_space<vmem>>, vector<16xi32>,
      %neg3A_615 = arith.constant 0.000000e+00 : f32
      %neg3A_616 = vector.broadcast %neg3A_615 : f32 to vector<16xf32>
      %neg3A_617 = arith.subf %neg3A_616, %get3A_612 : vector<16xf32>
      %ge3A_618 = arith.constant 1 : i32
      %ge3A_619 = vector.broadcast %ge3A_618 : i32 to vector<16xi32>
      %ge3A_620 = arith.cmpi sge, %iota3A, %ge3A_619 : vector<16xi32>
      tpu.vector_store_idx %arg7[%broadcast_in_dim3A_3, %get3A_614], %neg3A_617 masked %ge3A_620 {add = true} : memref<1x21843xf32, #tpu.memory_space<vmem>>[vector<16xi32>, vector<16xi32>], vector<16xf32>, vector<16xi1>
      %parallel_loop3A_621 = arith.constant 1 : i32
      %parallel_loop3A_622 = arith.constant 1365 : i32
      %parallel_loop3A_623 = arith.constant 1 : i32
      scf.for %parallel_loop3A_723 = %parallel_loop3A_621 to %parallel_loop3A_622 step %parallel_loop3A_623  : i32 {
        %parallel_loop3A_724 = arith.constant 16 : i32
        %parallel_loop3A_725 = arith.muli %parallel_loop3A_723, %parallel_loop3A_724 : i32
        %parallel_loop3A_726 = arith.constant 0 : i32
        %parallel_loop3A_727 = arith.index_cast %parallel_loop3A_726 : i32 to index
        %parallel_loop3A_728 = arith.index_cast %parallel_loop3A_725 : i32 to index
        %parallel_loop3A_729 = tpu.vector_load %arg7[%parallel_loop3A_727, %parallel_loop3A_728] {strides = array<i32>} : memref<1x21843xf32, #tpu.memory_space<vmem>>, vector<16xf32>,
        %parallel_loop3A_730 = arith.index_cast %parallel_loop3A_725 : i32 to index
        %parallel_loop3A_731 = tpu.vector_load %arg9[%parallel_loop3A_730] {strides = array<i32>} : memref<21888xi32, #tpu.memory_space<vmem>>, vector<16xi32>,
        %parallel_loop3A_732 = arith.constant 0.000000e+00 : f32
        %parallel_loop3A_733 = vector.broadcast %parallel_loop3A_732 : f32 to vector<16xf32>
        %parallel_loop3A_734 = arith.subf %parallel_loop3A_733, %parallel_loop3A_729 : vector<16xf32>
        tpu.vector_store_idx %arg7[%broadcast_in_dim3A_3, %parallel_loop3A_731], %parallel_loop3A_734 {add = true} : memref<1x21843xf32, #tpu.memory_space<vmem>>[vector<16xi32>, vector<16xi32>], vector<16xf32>,
      } {sc.loop_unroll_factor = 4 : i64, sc.parallel_access}
      %scan3A_624 = arith.constant 0 : i32
      %scan3A_625 = arith.constant 1365 : i32
      %scan3A_626 = arith.constant 0 : i32
      %scan3A_627 = arith.addi %scan3A_625, %scan3A_626 : i32
      %scan3A_628 = arith.constant 0 : i32
      %add3A_629 = arith.constant 21840 : i32
      %add3A_630 = vector.broadcast %add3A_629 : i32 to vector<16xi32>
      %add3A_631 = arith.addi %add3A_630, %iota3A : vector<16xi32>
      %min3A_632 = arith.constant 21842 : i32
      %min3A_633 = vector.broadcast %min3A_632 : i32 to vector<16xi32>
      %min3A_634 = arith.minsi %add3A_631, %min3A_633 : vector<16xi32>
      %lt3A_635 = arith.constant 3 : i32
      %lt3A_636 = vector.broadcast %lt3A_635 : i32 to vector<16xi32>
      %lt3A_637 = arith.cmpi slt, %iota3A, %lt3A_636 : vector<16xi32>
      %gather3A_638 = tpu.vector_load_idx %arg7[%broadcast_in_dim3A_3, %min3A_634] masked %lt3A_637 : memref<1x21843xf32, #tpu.memory_space<vmem>>[vector<16xi32>, vector<16xi32>], vector<16xf32>, vector<16xi1>
      %get3A_639 = arith.constant 21840 : index
      %get3A_640 = tpu.vector_load %arg9[%get3A_639] {strides = array<i32>} : memref<21888xi32, #tpu.memory_space<vmem>>, vector<16xi32>,
      %neg3A_641 = arith.constant 0.000000e+00 : f32
      %neg3A_642 = vector.broadcast %neg3A_641 : f32 to vector<16xf32>
      %neg3A_643 = arith.subf %neg3A_642, %gather3A_638 : vector<16xf32>
      %lt3A_644 = arith.constant 3 : i32
      %lt3A_645 = vector.broadcast %lt3A_644 : i32 to vector<16xi32>
      %lt3A_646 = arith.cmpi slt, %iota3A, %lt3A_645 : vector<16xi32>
      tpu.vector_store_idx %arg7[%broadcast_in_dim3A_3, %get3A_640], %neg3A_643 masked %lt3A_646 {add = true} : memref<1x21843xf32, #tpu.memory_space<vmem>>[vector<16xi32>, vector<16xi32>], vector<16xf32>, vector<16xi1>
      %dma_start3A_647 = arith.constant 0 : i32
      %dma_start3A_648 = tpu.memref_slice %arg4[%add3A_604, %dma_start3A_647] : memref<1024x21843xf32, #tpu.memory_space<hbm>> -> memref<1x21843xf32, #tpu.memory_space<hbm>>
      %dma_start3A_649 = arith.constant 0 : i32
      %dma_start3A_650 = tpu.memref_slice %arg4[%add3A_604, %dma_start3A_649] : memref<1024x21843xf32, #tpu.memory_space<hbm>> -> memref<1x21843xf32, #tpu.memory_space<hbm>>
      tpu.enqueue_dma source(%arg7 : memref<1x21843xf32, #tpu.memory_space<vmem>>) target(%dma_start3A_650 : memref<1x21843xf32, #tpu.memory_space<hbm>>) target_semaphore(%arg16 : memref<!tpu.dma_semaphore, #tpu.memory_space<semaphore_mem>>)
      %sub3A_651 = arith.constant 1 : i32
      %sub3A_652 = arith.subi %add3A_604, %sub3A_651 : i32
      %dma_wait3A_653 = arith.constant 0 : i32
      %dma_wait3A_654 = tpu.memref_slice %arg4[%sub3A_652, %dma_wait3A_653] : memref<1024x21843xf32, #tpu.memory_space<hbm>> -> memref<1x21843xf32, #tpu.memory_space<hbm>>
      %dma_wait3A_655 = arith.constant 0 : i32
      %dma_wait3A_656 = tpu.memref_slice %arg4[%sub3A_652, %dma_wait3A_655] : memref<1024x21843xf32, #tpu.memory_space<hbm>> -> memref<1x21843xf32, #tpu.memory_space<hbm>>
      tpu.wait_dma2 semaphore(%arg15 : memref<!tpu.dma_semaphore, #tpu.memory_space<semaphore_mem>>) src(%arg6 : memref<1x21843xf32, #tpu.memory_space<vmem>>) dst(%dma_wait3A_656 : memref<1x21843xf32, #tpu.memory_space<hbm>>)
      %add3A_657 = arith.constant 3 : i32
      %add3A_658 = arith.addi %add3A_604, %add3A_657 : i32
      %dma_start3A_659 = arith.constant 0 : i32
      %dma_start3A_660 = tpu.memref_slice %arg2[%add3A_658, %dma_start3A_659] : memref<1024x21843xf32, #tpu.memory_space<hbm>> -> memref<1x21843xf32, #tpu.memory_space<hbm>>
      %dma_start3A_661 = arith.constant 0 : i32
      %dma_start3A_662 = tpu.memref_slice %arg2[%add3A_658, %dma_start3A_661] : memref<1024x21843xf32, #tpu.memory_space<hbm>> -> memref<1x21843xf32, #tpu.memory_space<hbm>>
      tpu.enqueue_dma source(%dma_start3A_662 : memref<1x21843xf32, #tpu.memory_space<hbm>>) target(%arg6 : memref<1x21843xf32, #tpu.memory_space<vmem>>) target_semaphore(%arg11 : memref<!tpu.dma_semaphore, #tpu.memory_space<semaphore_mem>>)
      %add3A_663 = arith.constant 3 : i32
      %add3A_664 = arith.addi %add3A_482, %add3A_663 : i32
      %dma_wait3A_665 = arith.constant 0 : i32
      %dma_wait3A_666 = tpu.memref_slice %arg2[%add3A_664, %dma_wait3A_665] : memref<1024x21843xf32, #tpu.memory_space<hbm>> -> memref<1x21843xf32, #tpu.memory_space<hbm>>
      %dma_wait3A_667 = arith.constant 0 : i32
      %dma_wait3A_668 = tpu.memref_slice %arg2[%add3A_664, %dma_wait3A_667] : memref<1024x21843xf32, #tpu.memory_space<hbm>> -> memref<1x21843xf32, #tpu.memory_space<hbm>>
      tpu.wait_dma2 semaphore(%arg13 : memref<!tpu.dma_semaphore, #tpu.memory_space<semaphore_mem>>) src(%dma_wait3A_668 : memref<1x21843xf32, #tpu.memory_space<hbm>>) dst(%arg8 : memref<1x21843xf32, #tpu.memory_space<vmem>>)
      %get3A_669 = arith.constant 0 : i32
      %get3A_670 = arith.index_cast %get3A_669 : i32 to index
      %get3A_671 = arith.constant 0 : index
      %get3A_672 = tpu.vector_load %arg8[%get3A_670, %get3A_671] {strides = array<i32>} : memref<1x21843xf32, #tpu.memory_space<vmem>>, vector<16xf32>,
      %get3A_673 = arith.constant 0 : index
      %get3A_674 = tpu.vector_load %arg9[%get3A_673] {strides = array<i32>} : memref<21888xi32, #tpu.memory_space<vmem>>, vector<16xi32>,
      %neg3A_675 = arith.constant 0.000000e+00 : f32
      %neg3A_676 = vector.broadcast %neg3A_675 : f32 to vector<16xf32>
      %neg3A_677 = arith.subf %neg3A_676, %get3A_672 : vector<16xf32>
      %ge3A_678 = arith.constant 1 : i32
      %ge3A_679 = vector.broadcast %ge3A_678 : i32 to vector<16xi32>
      %ge3A_680 = arith.cmpi sge, %iota3A, %ge3A_679 : vector<16xi32>
      tpu.vector_store_idx %arg8[%broadcast_in_dim3A_3, %get3A_674], %neg3A_677 masked %ge3A_680 {add = true} : memref<1x21843xf32, #tpu.memory_space<vmem>>[vector<16xi32>, vector<16xi32>], vector<16xf32>, vector<16xi1>
      %parallel_loop3A_681 = arith.constant 1 : i32
      %parallel_loop3A_682 = arith.constant 1365 : i32
      %parallel_loop3A_683 = arith.constant 1 : i32
      scf.for %parallel_loop3A_723 = %parallel_loop3A_681 to %parallel_loop3A_682 step %parallel_loop3A_683  : i32 {
        %parallel_loop3A_724 = arith.constant 16 : i32
        %parallel_loop3A_725 = arith.muli %parallel_loop3A_723, %parallel_loop3A_724 : i32
        %parallel_loop3A_726 = arith.constant 0 : i32
        %parallel_loop3A_727 = arith.index_cast %parallel_loop3A_726 : i32 to index
        %parallel_loop3A_728 = arith.index_cast %parallel_loop3A_725 : i32 to index
        %parallel_loop3A_729 = tpu.vector_load %arg8[%parallel_loop3A_727, %parallel_loop3A_728] {strides = array<i32>} : memref<1x21843xf32, #tpu.memory_space<vmem>>, vector<16xf32>,
        %parallel_loop3A_730 = arith.index_cast %parallel_loop3A_725 : i32 to index
        %parallel_loop3A_731 = tpu.vector_load %arg9[%parallel_loop3A_730] {strides = array<i32>} : memref<21888xi32, #tpu.memory_space<vmem>>, vector<16xi32>,
        %parallel_loop3A_732 = arith.constant 0.000000e+00 : f32
        %parallel_loop3A_733 = vector.broadcast %parallel_loop3A_732 : f32 to vector<16xf32>
        %parallel_loop3A_734 = arith.subf %parallel_loop3A_733, %parallel_loop3A_729 : vector<16xf32>
        tpu.vector_store_idx %arg8[%broadcast_in_dim3A_3, %parallel_loop3A_731], %parallel_loop3A_734 {add = true} : memref<1x21843xf32, #tpu.memory_space<vmem>>[vector<16xi32>, vector<16xi32>], vector<16xf32>,
      } {sc.loop_unroll_factor = 4 : i64, sc.parallel_access}
      %scan3A_684 = arith.constant 0 : i32
      %scan3A_685 = arith.constant 1365 : i32
      %scan3A_686 = arith.constant 0 : i32
      %scan3A_687 = arith.addi %scan3A_685, %scan3A_686 : i32
      %scan3A_688 = arith.constant 0 : i32
      %add3A_689 = arith.constant 21840 : i32
      %add3A_690 = vector.broadcast %add3A_689 : i32 to vector<16xi32>
      %add3A_691 = arith.addi %add3A_690, %iota3A : vector<16xi32>
      %min3A_692 = arith.constant 21842 : i32
      %min3A_693 = vector.broadcast %min3A_692 : i32 to vector<16xi32>
      %min3A_694 = arith.minsi %add3A_691, %min3A_693 : vector<16xi32>
      %lt3A_695 = arith.constant 3 : i32
      %lt3A_696 = vector.broadcast %lt3A_695 : i32 to vector<16xi32>
      %lt3A_697 = arith.cmpi slt, %iota3A, %lt3A_696 : vector<16xi32>
      %gather3A_698 = tpu.vector_load_idx %arg8[%broadcast_in_dim3A_3, %min3A_694] masked %lt3A_697 : memref<1x21843xf32, #tpu.memory_space<vmem>>[vector<16xi32>, vector<16xi32>], vector<16xf32>, vector<16xi1>
      %get3A_699 = arith.constant 21840 : index
      %get3A_700 = tpu.vector_load %arg9[%get3A_699] {strides = array<i32>} : memref<21888xi32, #tpu.memory_space<vmem>>, vector<16xi32>,
      %neg3A_701 = arith.constant 0.000000e+00 : f32
      %neg3A_702 = vector.broadcast %neg3A_701 : f32 to vector<16xf32>
      %neg3A_703 = arith.subf %neg3A_702, %gather3A_698 : vector<16xf32>
      %lt3A_704 = arith.constant 3 : i32
      %lt3A_705 = vector.broadcast %lt3A_704 : i32 to vector<16xi32>
      %lt3A_706 = arith.cmpi slt, %iota3A, %lt3A_705 : vector<16xi32>
      tpu.vector_store_idx %arg8[%broadcast_in_dim3A_3, %get3A_700], %neg3A_703 masked %lt3A_706 {add = true} : memref<1x21843xf32, #tpu.memory_space<vmem>>[vector<16xi32>, vector<16xi32>], vector<16xf32>, vector<16xi1>
      %dma_start3A_707 = arith.constant 0 : i32
      %dma_start3A_708 = tpu.memref_slice %arg4[%add3A_664, %dma_start3A_707] : memref<1024x21843xf32, #tpu.memory_space<hbm>> -> memref<1x21843xf32, #tpu.memory_space<hbm>>
      %dma_start3A_709 = arith.constant 0 : i32
      %dma_start3A_710 = tpu.memref_slice %arg4[%add3A_664, %dma_start3A_709] : memref<1024x21843xf32, #tpu.memory_space<hbm>> -> memref<1x21843xf32, #tpu.memory_space<hbm>>
      tpu.enqueue_dma source(%arg8 : memref<1x21843xf32, #tpu.memory_space<vmem>>) target(%dma_start3A_710 : memref<1x21843xf32, #tpu.memory_space<hbm>>) target_semaphore(%arg17 : memref<!tpu.dma_semaphore, #tpu.memory_space<semaphore_mem>>)
      %sub3A_711 = arith.constant 1 : i32
      %sub3A_712 = arith.subi %add3A_664, %sub3A_711 : i32
      %dma_wait3A_713 = arith.constant 0 : i32
      %dma_wait3A_714 = tpu.memref_slice %arg4[%sub3A_712, %dma_wait3A_713] : memref<1024x21843xf32, #tpu.memory_space<hbm>> -> memref<1x21843xf32, #tpu.memory_space<hbm>>
      %dma_wait3A_715 = arith.constant 0 : i32
      %dma_wait3A_716 = tpu.memref_slice %arg4[%sub3A_712, %dma_wait3A_715] : memref<1024x21843xf32, #tpu.memory_space<hbm>> -> memref<1x21843xf32, #tpu.memory_space<hbm>>
      tpu.wait_dma2 semaphore(%arg16 : memref<!tpu.dma_semaphore, #tpu.memory_space<semaphore_mem>>) src(%arg7 : memref<1x21843xf32, #tpu.memory_space<vmem>>) dst(%dma_wait3A_716 : memref<1x21843xf32, #tpu.memory_space<hbm>>)
      %add3A_717 = arith.constant 3 : i32
      %add3A_718 = arith.addi %add3A_664, %add3A_717 : i32
      %dma_start3A_719 = arith.constant 0 : i32
      %dma_start3A_720 = tpu.memref_slice %arg2[%add3A_718, %dma_start3A_719] : memref<1024x21843xf32, #tpu.memory_space<hbm>> -> memref<1x21843xf32, #tpu.memory_space<hbm>>
      %dma_start3A_721 = arith.constant 0 : i32
      %dma_start3A_722 = tpu.memref_slice %arg2[%add3A_718, %dma_start3A_721] : memref<1024x21843xf32, #tpu.memory_space<hbm>> -> memref<1x21843xf32, #tpu.memory_space<hbm>>
      tpu.enqueue_dma source(%dma_start3A_722 : memref<1x21843xf32, #tpu.memory_space<hbm>>) target(%arg7 : memref<1x21843xf32, #tpu.memory_space<vmem>>) target_semaphore(%arg12 : memref<!tpu.dma_semaphore, #tpu.memory_space<semaphore_mem>>)
    }
    %scan3A_250 = arith.constant 6 : i32
    %add3A_251 = arith.constant 28 : i32
    %add3A_252 = arith.addi %mul3A_2, %add3A_251 : i32
    %dma_wait3A_253 = arith.constant 0 : i32
    %dma_wait3A_254 = tpu.memref_slice %arg2[%add3A_252, %dma_wait3A_253] : memref<1024x21843xf32, #tpu.memory_space<hbm>> -> memref<1x21843xf32, #tpu.memory_space<hbm>>
    %dma_wait3A_255 = arith.constant 0 : i32
    %dma_wait3A_256 = tpu.memref_slice %arg2[%add3A_252, %dma_wait3A_255] : memref<1024x21843xf32, #tpu.memory_space<hbm>> -> memref<1x21843xf32, #tpu.memory_space<hbm>>
    tpu.wait_dma2 semaphore(%arg10 : memref<!tpu.dma_semaphore, #tpu.memory_space<semaphore_mem>>) src(%dma_wait3A_256 : memref<1x21843xf32, #tpu.memory_space<hbm>>) dst(%arg5 : memref<1x21843xf32, #tpu.memory_space<vmem>>)
    %get3A_257 = arith.constant 0 : i32
    %get3A_258 = arith.index_cast %get3A_257 : i32 to index
    %get3A_259 = arith.constant 0 : index
    %get3A_260 = tpu.vector_load %arg5[%get3A_258, %get3A_259] {strides = array<i32>} : memref<1x21843xf32, #tpu.memory_space<vmem>>, vector<16xf32>,
    %get3A_261 = arith.constant 0 : index
    %get3A_262 = tpu.vector_load %arg9[%get3A_261] {strides = array<i32>} : memref<21888xi32, #tpu.memory_space<vmem>>, vector<16xi32>,
    %neg3A_263 = arith.constant 0.000000e+00 : f32
    %neg3A_264 = vector.broadcast %neg3A_263 : f32 to vector<16xf32>
    %neg3A_265 = arith.subf %neg3A_264, %get3A_260 : vector<16xf32>
    %ge3A_266 = arith.constant 1 : i32
    %ge3A_267 = vector.broadcast %ge3A_266 : i32 to vector<16xi32>
    %ge3A_268 = arith.cmpi sge, %iota3A, %ge3A_267 : vector<16xi32>
    tpu.vector_store_idx %arg5[%broadcast_in_dim3A_3, %get3A_262], %neg3A_265 masked %ge3A_268 {add = true} : memref<1x21843xf32, #tpu.memory_space<vmem>>[vector<16xi32>, vector<16xi32>], vector<16xf32>, vector<16xi1>
    %parallel_loop3A_269 = arith.constant 1 : i32
    %parallel_loop3A_270 = arith.constant 1365 : i32
    %parallel_loop3A_271 = arith.constant 1 : i32
    scf.for %parallel_loop3A_479 = %parallel_loop3A_269 to %parallel_loop3A_270 step %parallel_loop3A_271  : i32 {
      %parallel_loop3A_480 = arith.constant 16 : i32
      %parallel_loop3A_481 = arith.muli %parallel_loop3A_479, %parallel_loop3A_480 : i32
      %parallel_loop3A_482 = arith.constant 0 : i32
      %parallel_loop3A_483 = arith.index_cast %parallel_loop3A_482 : i32 to index
      %parallel_loop3A_484 = arith.index_cast %parallel_loop3A_481 : i32 to index
      %parallel_loop3A_485 = tpu.vector_load %arg5[%parallel_loop3A_483, %parallel_loop3A_484] {strides = array<i32>} : memref<1x21843xf32, #tpu.memory_space<vmem>>, vector<16xf32>,
      %parallel_loop3A_486 = arith.index_cast %parallel_loop3A_481 : i32 to index
      %parallel_loop3A_487 = tpu.vector_load %arg9[%parallel_loop3A_486] {strides = array<i32>} : memref<21888xi32, #tpu.memory_space<vmem>>, vector<16xi32>,
      %parallel_loop3A_488 = arith.constant 0.000000e+00 : f32
      %parallel_loop3A_489 = vector.broadcast %parallel_loop3A_488 : f32 to vector<16xf32>
      %parallel_loop3A_490 = arith.subf %parallel_loop3A_489, %parallel_loop3A_485 : vector<16xf32>
      tpu.vector_store_idx %arg5[%broadcast_in_dim3A_3, %parallel_loop3A_487], %parallel_loop3A_490 {add = true} : memref<1x21843xf32, #tpu.memory_space<vmem>>[vector<16xi32>, vector<16xi32>], vector<16xf32>,
    } {sc.loop_unroll_factor = 4 : i64, sc.parallel_access}
    %scan3A_272 = arith.constant 0 : i32
    %scan3A_273 = arith.constant 1365 : i32
    %scan3A_274 = arith.constant 0 : i32
    %scan3A_275 = arith.addi %scan3A_273, %scan3A_274 : i32
    %scan3A_276 = arith.constant 0 : i32
    %add3A_277 = arith.constant 21840 : i32
    %add3A_278 = vector.broadcast %add3A_277 : i32 to vector<16xi32>
    %add3A_279 = arith.addi %add3A_278, %iota3A : vector<16xi32>
    %min3A_280 = arith.constant 21842 : i32
    %min3A_281 = vector.broadcast %min3A_280 : i32 to vector<16xi32>
    %min3A_282 = arith.minsi %add3A_279, %min3A_281 : vector<16xi32>
    %lt3A_283 = arith.constant 3 : i32
    %lt3A_284 = vector.broadcast %lt3A_283 : i32 to vector<16xi32>
    %lt3A_285 = arith.cmpi slt, %iota3A, %lt3A_284 : vector<16xi32>
    %gather3A_286 = tpu.vector_load_idx %arg5[%broadcast_in_dim3A_3, %min3A_282] masked %lt3A_285 : memref<1x21843xf32, #tpu.memory_space<vmem>>[vector<16xi32>, vector<16xi32>], vector<16xf32>, vector<16xi1>
    %get3A_287 = arith.constant 21840 : index
    %get3A_288 = tpu.vector_load %arg9[%get3A_287] {strides = array<i32>} : memref<21888xi32, #tpu.memory_space<vmem>>, vector<16xi32>,
    %neg3A_289 = arith.constant 0.000000e+00 : f32
    %neg3A_290 = vector.broadcast %neg3A_289 : f32 to vector<16xf32>
    %neg3A_291 = arith.subf %neg3A_290, %gather3A_286 : vector<16xf32>
    %lt3A_292 = arith.constant 3 : i32
    %lt3A_293 = vector.broadcast %lt3A_292 : i32 to vector<16xi32>
    %lt3A_294 = arith.cmpi slt, %iota3A, %lt3A_293 : vector<16xi32>
    tpu.vector_store_idx %arg5[%broadcast_in_dim3A_3, %get3A_288], %neg3A_291 masked %lt3A_294 {add = true} : memref<1x21843xf32, #tpu.memory_space<vmem>>[vector<16xi32>, vector<16xi32>], vector<16xf32>, vector<16xi1>
    %dma_start3A_295 = arith.constant 0 : i32
    %dma_start3A_296 = tpu.memref_slice %arg4[%add3A_252, %dma_start3A_295] : memref<1024x21843xf32, #tpu.memory_space<hbm>> -> memref<1x21843xf32, #tpu.memory_space<hbm>>
    %dma_start3A_297 = arith.constant 0 : i32
    %dma_start3A_298 = tpu.memref_slice %arg4[%add3A_252, %dma_start3A_297] : memref<1024x21843xf32, #tpu.memory_space<hbm>> -> memref<1x21843xf32, #tpu.memory_space<hbm>>
    tpu.enqueue_dma source(%arg5 : memref<1x21843xf32, #tpu.memory_space<vmem>>) target(%dma_start3A_298 : memref<1x21843xf32, #tpu.memory_space<hbm>>) target_semaphore(%arg14 : memref<!tpu.dma_semaphore, #tpu.memory_space<semaphore_mem>>)
    %sub3A_299 = arith.constant 1 : i32
    %sub3A_300 = arith.subi %add3A_252, %sub3A_299 : i32
    %dma_wait3A_301 = arith.constant 0 : i32
    %dma_wait3A_302 = tpu.memref_slice %arg4[%sub3A_300, %dma_wait3A_301] : memref<1024x21843xf32, #tpu.memory_space<hbm>> -> memref<1x21843xf32, #tpu.memory_space<hbm>>
    %dma_wait3A_303 = arith.constant 0 : i32
    %dma_wait3A_304 = tpu.memref_slice %arg4[%sub3A_300, %dma_wait3A_303] : memref<1024x21843xf32, #tpu.memory_space<hbm>> -> memref<1x21843xf32, #tpu.memory_space<hbm>>
    tpu.wait_dma2 semaphore(%arg17 : memref<!tpu.dma_semaphore, #tpu.memory_space<semaphore_mem>>) src(%arg8 : memref<1x21843xf32, #tpu.memory_space<vmem>>) dst(%dma_wait3A_304 : memref<1x21843xf32, #tpu.memory_space<hbm>>)
    %add3A_305 = arith.constant 3 : i32
    %add3A_306 = arith.addi %add3A_252, %add3A_305 : i32
    %dma_start3A_307 = arith.constant 0 : i32
    %dma_start3A_308 = tpu.memref_slice %arg2[%add3A_306, %dma_start3A_307] : memref<1024x21843xf32, #tpu.memory_space<hbm>> -> memref<1x21843xf32, #tpu.memory_space<hbm>>
    %dma_start3A_309 = arith.constant 0 : i32
    %dma_start3A_310 = tpu.memref_slice %arg2[%add3A_306, %dma_start3A_309] : memref<1024x21843xf32, #tpu.memory_space<hbm>> -> memref<1x21843xf32, #tpu.memory_space<hbm>>
    tpu.enqueue_dma source(%dma_start3A_310 : memref<1x21843xf32, #tpu.memory_space<hbm>>) target(%arg8 : memref<1x21843xf32, #tpu.memory_space<vmem>>) target_semaphore(%arg13 : memref<!tpu.dma_semaphore, #tpu.memory_space<semaphore_mem>>)
    %add3A_311 = arith.constant 1 : i32
    %add3A_312 = arith.addi %add3A_252, %add3A_311 : i32
    %dma_wait3A_313 = arith.constant 0 : i32
    %dma_wait3A_314 = tpu.memref_slice %arg2[%add3A_312, %dma_wait3A_313] : memref<1024x21843xf32, #tpu.memory_space<hbm>> -> memref<1x21843xf32, #tpu.memory_space<hbm>>
    %dma_wait3A_315 = arith.constant 0 : i32
    %dma_wait3A_316 = tpu.memref_slice %arg2[%add3A_312, %dma_wait3A_315] : memref<1024x21843xf32, #tpu.memory_space<hbm>> -> memref<1x21843xf32, #tpu.memory_space<hbm>>
    tpu.wait_dma2 semaphore(%arg11 : memref<!tpu.dma_semaphore, #tpu.memory_space<semaphore_mem>>) src(%dma_wait3A_316 : memref<1x21843xf32, #tpu.memory_space<hbm>>) dst(%arg6 : memref<1x21843xf32, #tpu.memory_space<vmem>>)
    %get3A_317 = arith.constant 0 : i32
    %get3A_318 = arith.index_cast %get3A_317 : i32 to index
    %get3A_319 = arith.constant 0 : index
    %get3A_320 = tpu.vector_load %arg6[%get3A_318, %get3A_319] {strides = array<i32>} : memref<1x21843xf32, #tpu.memory_space<vmem>>, vector<16xf32>,
    %get3A_321 = arith.constant 0 : index
    %get3A_322 = tpu.vector_load %arg9[%get3A_321] {strides = array<i32>} : memref<21888xi32, #tpu.memory_space<vmem>>, vector<16xi32>,
    %neg3A_323 = arith.constant 0.000000e+00 : f32
    %neg3A_324 = vector.broadcast %neg3A_323 : f32 to vector<16xf32>
    %neg3A_325 = arith.subf %neg3A_324, %get3A_320 : vector<16xf32>
    %ge3A_326 = arith.constant 1 : i32
    %ge3A_327 = vector.broadcast %ge3A_326 : i32 to vector<16xi32>
    %ge3A_328 = arith.cmpi sge, %iota3A, %ge3A_327 : vector<16xi32>
    tpu.vector_store_idx %arg6[%broadcast_in_dim3A_3, %get3A_322], %neg3A_325 masked %ge3A_328 {add = true} : memref<1x21843xf32, #tpu.memory_space<vmem>>[vector<16xi32>, vector<16xi32>], vector<16xf32>, vector<16xi1>
    %parallel_loop3A_329 = arith.constant 1 : i32
    %parallel_loop3A_330 = arith.constant 1365 : i32
    %parallel_loop3A_331 = arith.constant 1 : i32
    scf.for %parallel_loop3A_479 = %parallel_loop3A_329 to %parallel_loop3A_330 step %parallel_loop3A_331  : i32 {
      %parallel_loop3A_480 = arith.constant 16 : i32
      %parallel_loop3A_481 = arith.muli %parallel_loop3A_479, %parallel_loop3A_480 : i32
      %parallel_loop3A_482 = arith.constant 0 : i32
      %parallel_loop3A_483 = arith.index_cast %parallel_loop3A_482 : i32 to index
      %parallel_loop3A_484 = arith.index_cast %parallel_loop3A_481 : i32 to index
      %parallel_loop3A_485 = tpu.vector_load %arg6[%parallel_loop3A_483, %parallel_loop3A_484] {strides = array<i32>} : memref<1x21843xf32, #tpu.memory_space<vmem>>, vector<16xf32>,
      %parallel_loop3A_486 = arith.index_cast %parallel_loop3A_481 : i32 to index
      %parallel_loop3A_487 = tpu.vector_load %arg9[%parallel_loop3A_486] {strides = array<i32>} : memref<21888xi32, #tpu.memory_space<vmem>>, vector<16xi32>,
      %parallel_loop3A_488 = arith.constant 0.000000e+00 : f32
      %parallel_loop3A_489 = vector.broadcast %parallel_loop3A_488 : f32 to vector<16xf32>
      %parallel_loop3A_490 = arith.subf %parallel_loop3A_489, %parallel_loop3A_485 : vector<16xf32>
      tpu.vector_store_idx %arg6[%broadcast_in_dim3A_3, %parallel_loop3A_487], %parallel_loop3A_490 {add = true} : memref<1x21843xf32, #tpu.memory_space<vmem>>[vector<16xi32>, vector<16xi32>], vector<16xf32>,
    } {sc.loop_unroll_factor = 4 : i64, sc.parallel_access}
    %scan3A_332 = arith.constant 0 : i32
    %scan3A_333 = arith.constant 1365 : i32
    %scan3A_334 = arith.constant 0 : i32
    %scan3A_335 = arith.addi %scan3A_333, %scan3A_334 : i32
    %scan3A_336 = arith.constant 0 : i32
    %add3A_337 = arith.constant 21840 : i32
    %add3A_338 = vector.broadcast %add3A_337 : i32 to vector<16xi32>
    %add3A_339 = arith.addi %add3A_338, %iota3A : vector<16xi32>
    %min3A_340 = arith.constant 21842 : i32
    %min3A_341 = vector.broadcast %min3A_340 : i32 to vector<16xi32>
    %min3A_342 = arith.minsi %add3A_339, %min3A_341 : vector<16xi32>
    %lt3A_343 = arith.constant 3 : i32
    %lt3A_344 = vector.broadcast %lt3A_343 : i32 to vector<16xi32>
    %lt3A_345 = arith.cmpi slt, %iota3A, %lt3A_344 : vector<16xi32>
    %gather3A_346 = tpu.vector_load_idx %arg6[%broadcast_in_dim3A_3, %min3A_342] masked %lt3A_345 : memref<1x21843xf32, #tpu.memory_space<vmem>>[vector<16xi32>, vector<16xi32>], vector<16xf32>, vector<16xi1>
    %get3A_347 = arith.constant 21840 : index
    %get3A_348 = tpu.vector_load %arg9[%get3A_347] {strides = array<i32>} : memref<21888xi32, #tpu.memory_space<vmem>>, vector<16xi32>,
    %neg3A_349 = arith.constant 0.000000e+00 : f32
    %neg3A_350 = vector.broadcast %neg3A_349 : f32 to vector<16xf32>
    %neg3A_351 = arith.subf %neg3A_350, %gather3A_346 : vector<16xf32>
    %lt3A_352 = arith.constant 3 : i32
    %lt3A_353 = vector.broadcast %lt3A_352 : i32 to vector<16xi32>
    %lt3A_354 = arith.cmpi slt, %iota3A, %lt3A_353 : vector<16xi32>
    tpu.vector_store_idx %arg6[%broadcast_in_dim3A_3, %get3A_348], %neg3A_351 masked %lt3A_354 {add = true} : memref<1x21843xf32, #tpu.memory_space<vmem>>[vector<16xi32>, vector<16xi32>], vector<16xf32>, vector<16xi1>
    %dma_start3A_355 = arith.constant 0 : i32
    %dma_start3A_356 = tpu.memref_slice %arg4[%add3A_312, %dma_start3A_355] : memref<1024x21843xf32, #tpu.memory_space<hbm>> -> memref<1x21843xf32, #tpu.memory_space<hbm>>
    %dma_start3A_357 = arith.constant 0 : i32
    %dma_start3A_358 = tpu.memref_slice %arg4[%add3A_312, %dma_start3A_357] : memref<1024x21843xf32, #tpu.memory_space<hbm>> -> memref<1x21843xf32, #tpu.memory_space<hbm>>
    tpu.enqueue_dma source(%arg6 : memref<1x21843xf32, #tpu.memory_space<vmem>>) target(%dma_start3A_358 : memref<1x21843xf32, #tpu.memory_space<hbm>>) target_semaphore(%arg15 : memref<!tpu.dma_semaphore, #tpu.memory_space<semaphore_mem>>)
    %add3A_359 = arith.constant 2 : i32
    %add3A_360 = arith.addi %add3A_252, %add3A_359 : i32
    %dma_wait3A_361 = arith.constant 0 : i32
    %dma_wait3A_362 = tpu.memref_slice %arg2[%add3A_360, %dma_wait3A_361] : memref<1024x21843xf32, #tpu.memory_space<hbm>> -> memref<1x21843xf32, #tpu.memory_space<hbm>>
    %dma_wait3A_363 = arith.constant 0 : i32
    %dma_wait3A_364 = tpu.memref_slice %arg2[%add3A_360, %dma_wait3A_363] : memref<1024x21843xf32, #tpu.memory_space<hbm>> -> memref<1x21843xf32, #tpu.memory_space<hbm>>
    tpu.wait_dma2 semaphore(%arg12 : memref<!tpu.dma_semaphore, #tpu.memory_space<semaphore_mem>>) src(%dma_wait3A_364 : memref<1x21843xf32, #tpu.memory_space<hbm>>) dst(%arg7 : memref<1x21843xf32, #tpu.memory_space<vmem>>)
    %get3A_365 = arith.constant 0 : i32
    %get3A_366 = arith.index_cast %get3A_365 : i32 to index
    %get3A_367 = arith.constant 0 : index
    %get3A_368 = tpu.vector_load %arg7[%get3A_366, %get3A_367] {strides = array<i32>} : memref<1x21843xf32, #tpu.memory_space<vmem>>, vector<16xf32>,
    %get3A_369 = arith.constant 0 : index
    %get3A_370 = tpu.vector_load %arg9[%get3A_369] {strides = array<i32>} : memref<21888xi32, #tpu.memory_space<vmem>>, vector<16xi32>,
    %neg3A_371 = arith.constant 0.000000e+00 : f32
    %neg3A_372 = vector.broadcast %neg3A_371 : f32 to vector<16xf32>
    %neg3A_373 = arith.subf %neg3A_372, %get3A_368 : vector<16xf32>
    %ge3A_374 = arith.constant 1 : i32
    %ge3A_375 = vector.broadcast %ge3A_374 : i32 to vector<16xi32>
    %ge3A_376 = arith.cmpi sge, %iota3A, %ge3A_375 : vector<16xi32>
    tpu.vector_store_idx %arg7[%broadcast_in_dim3A_3, %get3A_370], %neg3A_373 masked %ge3A_376 {add = true} : memref<1x21843xf32, #tpu.memory_space<vmem>>[vector<16xi32>, vector<16xi32>], vector<16xf32>, vector<16xi1>
    %parallel_loop3A_377 = arith.constant 1 : i32
    %parallel_loop3A_378 = arith.constant 1365 : i32
    %parallel_loop3A_379 = arith.constant 1 : i32
    scf.for %parallel_loop3A_479 = %parallel_loop3A_377 to %parallel_loop3A_378 step %parallel_loop3A_379  : i32 {
      %parallel_loop3A_480 = arith.constant 16 : i32
      %parallel_loop3A_481 = arith.muli %parallel_loop3A_479, %parallel_loop3A_480 : i32
      %parallel_loop3A_482 = arith.constant 0 : i32
      %parallel_loop3A_483 = arith.index_cast %parallel_loop3A_482 : i32 to index
      %parallel_loop3A_484 = arith.index_cast %parallel_loop3A_481 : i32 to index
      %parallel_loop3A_485 = tpu.vector_load %arg7[%parallel_loop3A_483, %parallel_loop3A_484] {strides = array<i32>} : memref<1x21843xf32, #tpu.memory_space<vmem>>, vector<16xf32>,
      %parallel_loop3A_486 = arith.index_cast %parallel_loop3A_481 : i32 to index
      %parallel_loop3A_487 = tpu.vector_load %arg9[%parallel_loop3A_486] {strides = array<i32>} : memref<21888xi32, #tpu.memory_space<vmem>>, vector<16xi32>,
      %parallel_loop3A_488 = arith.constant 0.000000e+00 : f32
      %parallel_loop3A_489 = vector.broadcast %parallel_loop3A_488 : f32 to vector<16xf32>
      %parallel_loop3A_490 = arith.subf %parallel_loop3A_489, %parallel_loop3A_485 : vector<16xf32>
      tpu.vector_store_idx %arg7[%broadcast_in_dim3A_3, %parallel_loop3A_487], %parallel_loop3A_490 {add = true} : memref<1x21843xf32, #tpu.memory_space<vmem>>[vector<16xi32>, vector<16xi32>], vector<16xf32>,
    } {sc.loop_unroll_factor = 4 : i64, sc.parallel_access}
    %scan3A_380 = arith.constant 0 : i32
    %scan3A_381 = arith.constant 1365 : i32
    %scan3A_382 = arith.constant 0 : i32
    %scan3A_383 = arith.addi %scan3A_381, %scan3A_382 : i32
    %scan3A_384 = arith.constant 0 : i32
    %add3A_385 = arith.constant 21840 : i32
    %add3A_386 = vector.broadcast %add3A_385 : i32 to vector<16xi32>
    %add3A_387 = arith.addi %add3A_386, %iota3A : vector<16xi32>
    %min3A_388 = arith.constant 21842 : i32
    %min3A_389 = vector.broadcast %min3A_388 : i32 to vector<16xi32>
    %min3A_390 = arith.minsi %add3A_387, %min3A_389 : vector<16xi32>
    %lt3A_391 = arith.constant 3 : i32
    %lt3A_392 = vector.broadcast %lt3A_391 : i32 to vector<16xi32>
    %lt3A_393 = arith.cmpi slt, %iota3A, %lt3A_392 : vector<16xi32>
    %gather3A_394 = tpu.vector_load_idx %arg7[%broadcast_in_dim3A_3, %min3A_390] masked %lt3A_393 : memref<1x21843xf32, #tpu.memory_space<vmem>>[vector<16xi32>, vector<16xi32>], vector<16xf32>, vector<16xi1>
    %get3A_395 = arith.constant 21840 : index
    %get3A_396 = tpu.vector_load %arg9[%get3A_395] {strides = array<i32>} : memref<21888xi32, #tpu.memory_space<vmem>>, vector<16xi32>,
    %neg3A_397 = arith.constant 0.000000e+00 : f32
    %neg3A_398 = vector.broadcast %neg3A_397 : f32 to vector<16xf32>
    %neg3A_399 = arith.subf %neg3A_398, %gather3A_394 : vector<16xf32>
    %lt3A_400 = arith.constant 3 : i32
    %lt3A_401 = vector.broadcast %lt3A_400 : i32 to vector<16xi32>
    %lt3A_402 = arith.cmpi slt, %iota3A, %lt3A_401 : vector<16xi32>
    tpu.vector_store_idx %arg7[%broadcast_in_dim3A_3, %get3A_396], %neg3A_399 masked %lt3A_402 {add = true} : memref<1x21843xf32, #tpu.memory_space<vmem>>[vector<16xi32>, vector<16xi32>], vector<16xf32>, vector<16xi1>
    %dma_start3A_403 = arith.constant 0 : i32
    %dma_start3A_404 = tpu.memref_slice %arg4[%add3A_360, %dma_start3A_403] : memref<1024x21843xf32, #tpu.memory_space<hbm>> -> memref<1x21843xf32, #tpu.memory_space<hbm>>
    %dma_start3A_405 = arith.constant 0 : i32
    %dma_start3A_406 = tpu.memref_slice %arg4[%add3A_360, %dma_start3A_405] : memref<1024x21843xf32, #tpu.memory_space<hbm>> -> memref<1x21843xf32, #tpu.memory_space<hbm>>
    tpu.enqueue_dma source(%arg7 : memref<1x21843xf32, #tpu.memory_space<vmem>>) target(%dma_start3A_406 : memref<1x21843xf32, #tpu.memory_space<hbm>>) target_semaphore(%arg16 : memref<!tpu.dma_semaphore, #tpu.memory_space<semaphore_mem>>)
    %add3A_407 = arith.constant 3 : i32
    %add3A_408 = arith.addi %add3A_252, %add3A_407 : i32
    %dma_wait3A_409 = arith.constant 0 : i32
    %dma_wait3A_410 = tpu.memref_slice %arg2[%add3A_408, %dma_wait3A_409] : memref<1024x21843xf32, #tpu.memory_space<hbm>> -> memref<1x21843xf32, #tpu.memory_space<hbm>>
    %dma_wait3A_411 = arith.constant 0 : i32
    %dma_wait3A_412 = tpu.memref_slice %arg2[%add3A_408, %dma_wait3A_411] : memref<1024x21843xf32, #tpu.memory_space<hbm>> -> memref<1x21843xf32, #tpu.memory_space<hbm>>
    tpu.wait_dma2 semaphore(%arg13 : memref<!tpu.dma_semaphore, #tpu.memory_space<semaphore_mem>>) src(%dma_wait3A_412 : memref<1x21843xf32, #tpu.memory_space<hbm>>) dst(%arg8 : memref<1x21843xf32, #tpu.memory_space<vmem>>)
    %get3A_413 = arith.constant 0 : i32
    %get3A_414 = arith.index_cast %get3A_413 : i32 to index
    %get3A_415 = arith.constant 0 : index
    %get3A_416 = tpu.vector_load %arg8[%get3A_414, %get3A_415] {strides = array<i32>} : memref<1x21843xf32, #tpu.memory_space<vmem>>, vector<16xf32>,
    %get3A_417 = arith.constant 0 : index
    %get3A_418 = tpu.vector_load %arg9[%get3A_417] {strides = array<i32>} : memref<21888xi32, #tpu.memory_space<vmem>>, vector<16xi32>,
    %neg3A_419 = arith.constant 0.000000e+00 : f32
    %neg3A_420 = vector.broadcast %neg3A_419 : f32 to vector<16xf32>
    %neg3A_421 = arith.subf %neg3A_420, %get3A_416 : vector<16xf32>
    %ge3A_422 = arith.constant 1 : i32
    %ge3A_423 = vector.broadcast %ge3A_422 : i32 to vector<16xi32>
    %ge3A_424 = arith.cmpi sge, %iota3A, %ge3A_423 : vector<16xi32>
    tpu.vector_store_idx %arg8[%broadcast_in_dim3A_3, %get3A_418], %neg3A_421 masked %ge3A_424 {add = true} : memref<1x21843xf32, #tpu.memory_space<vmem>>[vector<16xi32>, vector<16xi32>], vector<16xf32>, vector<16xi1>
    %parallel_loop3A_425 = arith.constant 1 : i32
    %parallel_loop3A_426 = arith.constant 1365 : i32
    %parallel_loop3A_427 = arith.constant 1 : i32
    scf.for %parallel_loop3A_479 = %parallel_loop3A_425 to %parallel_loop3A_426 step %parallel_loop3A_427  : i32 {
      %parallel_loop3A_480 = arith.constant 16 : i32
      %parallel_loop3A_481 = arith.muli %parallel_loop3A_479, %parallel_loop3A_480 : i32
      %parallel_loop3A_482 = arith.constant 0 : i32
      %parallel_loop3A_483 = arith.index_cast %parallel_loop3A_482 : i32 to index
      %parallel_loop3A_484 = arith.index_cast %parallel_loop3A_481 : i32 to index
      %parallel_loop3A_485 = tpu.vector_load %arg8[%parallel_loop3A_483, %parallel_loop3A_484] {strides = array<i32>} : memref<1x21843xf32, #tpu.memory_space<vmem>>, vector<16xf32>,
      %parallel_loop3A_486 = arith.index_cast %parallel_loop3A_481 : i32 to index
      %parallel_loop3A_487 = tpu.vector_load %arg9[%parallel_loop3A_486] {strides = array<i32>} : memref<21888xi32, #tpu.memory_space<vmem>>, vector<16xi32>,
      %parallel_loop3A_488 = arith.constant 0.000000e+00 : f32
      %parallel_loop3A_489 = vector.broadcast %parallel_loop3A_488 : f32 to vector<16xf32>
      %parallel_loop3A_490 = arith.subf %parallel_loop3A_489, %parallel_loop3A_485 : vector<16xf32>
      tpu.vector_store_idx %arg8[%broadcast_in_dim3A_3, %parallel_loop3A_487], %parallel_loop3A_490 {add = true} : memref<1x21843xf32, #tpu.memory_space<vmem>>[vector<16xi32>, vector<16xi32>], vector<16xf32>,
    } {sc.loop_unroll_factor = 4 : i64, sc.parallel_access}
    %scan3A_428 = arith.constant 0 : i32
    %scan3A_429 = arith.constant 1365 : i32
    %scan3A_430 = arith.constant 0 : i32
    %scan3A_431 = arith.addi %scan3A_429, %scan3A_430 : i32
    %scan3A_432 = arith.constant 0 : i32
    %add3A_433 = arith.constant 21840 : i32
    %add3A_434 = vector.broadcast %add3A_433 : i32 to vector<16xi32>
    %add3A_435 = arith.addi %add3A_434, %iota3A : vector<16xi32>
    %min3A_436 = arith.constant 21842 : i32
    %min3A_437 = vector.broadcast %min3A_436 : i32 to vector<16xi32>
    %min3A_438 = arith.minsi %add3A_435, %min3A_437 : vector<16xi32>
    %lt3A_439 = arith.constant 3 : i32
    %lt3A_440 = vector.broadcast %lt3A_439 : i32 to vector<16xi32>
    %lt3A_441 = arith.cmpi slt, %iota3A, %lt3A_440 : vector<16xi32>
    %gather3A_442 = tpu.vector_load_idx %arg8[%broadcast_in_dim3A_3, %min3A_438] masked %lt3A_441 : memref<1x21843xf32, #tpu.memory_space<vmem>>[vector<16xi32>, vector<16xi32>], vector<16xf32>, vector<16xi1>
    %get3A_443 = arith.constant 21840 : index
    %get3A_444 = tpu.vector_load %arg9[%get3A_443] {strides = array<i32>} : memref<21888xi32, #tpu.memory_space<vmem>>, vector<16xi32>,
    %neg3A_445 = arith.constant 0.000000e+00 : f32
    %neg3A_446 = vector.broadcast %neg3A_445 : f32 to vector<16xf32>
    %neg3A_447 = arith.subf %neg3A_446, %gather3A_442 : vector<16xf32>
    %lt3A_448 = arith.constant 3 : i32
    %lt3A_449 = vector.broadcast %lt3A_448 : i32 to vector<16xi32>
    %lt3A_450 = arith.cmpi slt, %iota3A, %lt3A_449 : vector<16xi32>
    tpu.vector_store_idx %arg8[%broadcast_in_dim3A_3, %get3A_444], %neg3A_447 masked %lt3A_450 {add = true} : memref<1x21843xf32, #tpu.memory_space<vmem>>[vector<16xi32>, vector<16xi32>], vector<16xf32>, vector<16xi1>
    %dma_start3A_451 = arith.constant 0 : i32
    %dma_start3A_452 = tpu.memref_slice %arg4[%add3A_408, %dma_start3A_451] : memref<1024x21843xf32, #tpu.memory_space<hbm>> -> memref<1x21843xf32, #tpu.memory_space<hbm>>
    %dma_start3A_453 = arith.constant 0 : i32
    %dma_start3A_454 = tpu.memref_slice %arg4[%add3A_408, %dma_start3A_453] : memref<1024x21843xf32, #tpu.memory_space<hbm>> -> memref<1x21843xf32, #tpu.memory_space<hbm>>
    tpu.enqueue_dma source(%arg8 : memref<1x21843xf32, #tpu.memory_space<vmem>>) target(%dma_start3A_454 : memref<1x21843xf32, #tpu.memory_space<hbm>>) target_semaphore(%arg17 : memref<!tpu.dma_semaphore, #tpu.memory_space<semaphore_mem>>)
    %add3A_455 = arith.constant 0 : i32
    %add3A_456 = arith.addi %add3A_252, %add3A_455 : i32
    %dma_wait3A_457 = arith.constant 0 : i32
    %dma_wait3A_458 = tpu.memref_slice %arg4[%add3A_456, %dma_wait3A_457] : memref<1024x21843xf32, #tpu.memory_space<hbm>> -> memref<1x21843xf32, #tpu.memory_space<hbm>>
    %dma_wait3A_459 = arith.constant 0 : i32
    %dma_wait3A_460 = tpu.memref_slice %arg4[%add3A_456, %dma_wait3A_459] : memref<1024x21843xf32, #tpu.memory_space<hbm>> -> memref<1x21843xf32, #tpu.memory_space<hbm>>
    tpu.wait_dma2 semaphore(%arg14 : memref<!tpu.dma_semaphore, #tpu.memory_space<semaphore_mem>>) src(%arg5 : memref<1x21843xf32, #tpu.memory_space<vmem>>) dst(%dma_wait3A_460 : memref<1x21843xf32, #tpu.memory_space<hbm>>)
    %add3A_461 = arith.constant 1 : i32
    %add3A_462 = arith.addi %add3A_252, %add3A_461 : i32
    %dma_wait3A_463 = arith.constant 0 : i32
    %dma_wait3A_464 = tpu.memref_slice %arg4[%add3A_462, %dma_wait3A_463] : memref<1024x21843xf32, #tpu.memory_space<hbm>> -> memref<1x21843xf32, #tpu.memory_space<hbm>>
    %dma_wait3A_465 = arith.constant 0 : i32
    %dma_wait3A_466 = tpu.memref_slice %arg4[%add3A_462, %dma_wait3A_465] : memref<1024x21843xf32, #tpu.memory_space<hbm>> -> memref<1x21843xf32, #tpu.memory_space<hbm>>
    tpu.wait_dma2 semaphore(%arg15 : memref<!tpu.dma_semaphore, #tpu.memory_space<semaphore_mem>>) src(%arg6 : memref<1x21843xf32, #tpu.memory_space<vmem>>) dst(%dma_wait3A_466 : memref<1x21843xf32, #tpu.memory_space<hbm>>)
    %add3A_467 = arith.constant 2 : i32
    %add3A_468 = arith.addi %add3A_252, %add3A_467 : i32
    %dma_wait3A_469 = arith.constant 0 : i32
    %dma_wait3A_470 = tpu.memref_slice %arg4[%add3A_468, %dma_wait3A_469] : memref<1024x21843xf32, #tpu.memory_space<hbm>> -> memref<1x21843xf32, #tpu.memory_space<hbm>>
    %dma_wait3A_471 = arith.constant 0 : i32
    %dma_wait3A_472 = tpu.memref_slice %arg4[%add3A_468, %dma_wait3A_471] : memref<1024x21843xf32, #tpu.memory_space<hbm>> -> memref<1x21843xf32, #tpu.memory_space<hbm>>
    tpu.wait_dma2 semaphore(%arg16 : memref<!tpu.dma_semaphore, #tpu.memory_space<semaphore_mem>>) src(%arg7 : memref<1x21843xf32, #tpu.memory_space<vmem>>) dst(%dma_wait3A_472 : memref<1x21843xf32, #tpu.memory_space<hbm>>)
    %add3A_473 = arith.constant 3 : i32
    %add3A_474 = arith.addi %add3A_252, %add3A_473 : i32
    %dma_wait3A_475 = arith.constant 0 : i32
    %dma_wait3A_476 = tpu.memref_slice %arg4[%add3A_474, %dma_wait3A_475] : memref<1024x21843xf32, #tpu.memory_space<hbm>> -> memref<1x21843xf32, #tpu.memory_space<hbm>>
    %dma_wait3A_477 = arith.constant 0 : i32
    %dma_wait3A_478 = tpu.memref_slice %arg4[%add3A_474, %dma_wait3A_477] : memref<1024x21843xf32, #tpu.memory_space<hbm>> -> memref<1x21843xf32, #tpu.memory_space<hbm>>
    tpu.wait_dma2 semaphore(%arg17 : memref<!tpu.dma_semaphore, #tpu.memory_space<semaphore_mem>>) src(%arg8 : memref<1x21843xf32, #tpu.memory_space<vmem>>) dst(%dma_wait3A_478 : memref<1x21843xf32, #tpu.memory_space<hbm>>)
    return
  }
}

</mosaic_0001>

<sc_bundles>
// kernel: kernel.3.cloned.1.call-start
scs
__scs_entry_jumppad:
0x0: {  	(pc) =	sbr.rel $0x88, $3  }
0x1: {  	(tag) =	ssettag $0x0;
	lr =	simm.s32 $0x1  }
0x2: {  	[smem:$0x3F9F] =	sst lr;
	_ =	strace $0xD0000000  }
0x3: {  	_ = 	snop  }
0x4: {  	_ = 	snop  }
0x5: {  	_ = 	snop  }
0x6: {  	_ = 	snop  }
0x7: {  	_ = 	snop  }
__scs_overlays_trampoline_lowered:
0x8: {  	[smem:$0x3FAE] =	sst s0  }
0x9: {  	[smem:$0x3FAF] =	sst s1  }
0xa: {  	[smem:$0x3FB0] =	sst s2  }
0xb: {  	[smem:$0x3FB1] =	sst s3  }
0xc: {  	[smem:$0x3FB2] =	sst s4  }
0xd: {  	[smem:$0x3FB3] =	sst s5  }
0xe: {  	[smem:$0x3FB4] =	sst s6  }
0xf: {  	[smem:$0x3FB5] =	sst s7  }
0x10: {  	[smem:$0x3FB6] =	sst s8  }
0x11: {  	[smem:$0x3FB7] =	sst s9;
	s0 =	simm.s32 @!p0 $0x0  }
0x12: {  	s1 =	sld [smem:$0x3F9D];
	s0 =	simm.s32 @p0 $0x1  }
0x13: {  	[smem:$0x3FB8] =	sst s0;
	s0 =	simm.s32 @!p1 $0x0  }
0x14: {  	s2 =	sld [smem:$0x3F9C];
	s0 =	simm.s32 @p1 $0x1  }
0x15: {  	[smem:$0x3FB9] =	sst s0;
	s0 =	simm.s32 @!p2 $0x0  }
0x16: {  	s3 =	sld [smem:$0x3FDB];
	s0 =	simm.s32 @p2 $0x1  }
0x17: {  	s4 =	simm.s32 $0x1BF5;
	[smem:$0x3FBB] =	sst s0  }
0x18: {  	s0 =	sld [smem:$0x3F9E];
	_ =	swait.ge [sflag:s4], $0x0  }
0x19: {  	s7 =	sld [smem:$0x3F9F]  }
0x1a: {  	s8 =	sadd.s32 $0xFFFFE003, lr  }
0x1b: {  	s9 =	sadd.s32 $0xFFFFFEF7, lr;
	s5 =	simm.s32 $0xFFFFFFFF;
	p2 =	slt.u32 s8, $0xFFFFF086  }
0x1c: {  	p1 =	slt.u32 s9, $0xF7A;
	s5 =	simm.s32 @!p2 $0x0  }
0x1d: {  	s5 =	simm.s32 @p1 $0x1;
	p0 =	seq.s32 s7, s2  }
0x1e: {  	s7 =	smul.u32 @!p0 $0xF7A, s2;
	p2 =	seq.s32 @!p0 s5, $0x0  }
0x1f: {  	s9 =	smul.u32 $0xF7A, s1;
	s8 =	simm.s32 @!p0 $0x1BF5;
	p2 =	por !p2, p0  }
0x20: {  	[sflag:s8] =	ssyncset.s32 @!p0 $0xFFFFF086;
	s6 =	sadd.s32 @!p0 s3, s7;
	s7 =	simm.s32 @!p0 $0x108  }
0x21: {  	s3 =	sadd.s32 s3, s9;
	s6 =	sadd.s32 @!p0 $0x88, s6;
	s7 =	simm.s32 @p2 $0x1082  }
0x22: {  	[simem:s7], [sflag:s8] =	dma.local @!p0 [hbm:s6], $0xF7A  }
0x23: {  	s9 =	sor.u32 $0xD0000000, s2;
	s6 =	simm.s32 $0x108;
	_ =	swait.ge @!p0 [sflag:s8], $0x0  }
0x24: {  	s3 =	sadd.s32 $0x88, s3;
	s6 =	simm.s32 @!p1 $0x1082;
	[sflag:s4] =	ssyncset.s32 $0xFFFFF086  }
0x25: {  	[simem:s6], [sflag:s4] =	dma.local [hbm:s3], $0xF7A  }
0x26: {  	[smem:$0x3F9F] =	sst s1;
	(tag) =	ssettag s2;
	_ =	strace s9  }
0x27: {  	s1 =	sld [smem:$0x3FAF]  }
0x28: {  	s2 =	sld [smem:$0x3FB0]  }
0x29: {  	s4 =	sld [smem:$0x3FB2]  }
0x2a: {  	p0 =	seq.s32 s5, $0x0;
	s5 =	sld [smem:$0x3FB3]  }
0x2b: {  	s6 =	sld [smem:$0x3FB4]  }
0x2c: {  	s7 =	sld [smem:$0x3FB5]  }
0x2d: {  	s3 =	simm.s32 $0x108;
	s8 =	sld [smem:$0x3FB6]  }
0x2e: {  	s3 =	simm.s32 @!p0 $0x1082;
	s9 =	sld [smem:$0x3FB7]  }
0x2f: {  	lr =	sadd.s32 s0, s3;
	s0 =	sld [smem:$0x3FAE]  }
0x30: {  	s3 =	sld [smem:$0x3FB1]  }
0x31: {  	[smem:$0x3FBA] =	sst s10  }
0x32: {  	s10 =	sld [smem:$0x3FB8];
	_ =	sdelay $0x3  }
0x33: {  	p0 =	seq.s32 s10, $0x1;
	s10 =	sld [smem:$0x3FBA];
	_ =	sdelay $0x3  }
0x34: {  	[smem:$0x3FBA] =	sst s10  }
0x35: {  	s10 =	sld [smem:$0x3FB9];
	_ =	sdelay $0x3  }
0x36: {  	p1 =	seq.s32 s10, $0x1;
	s10 =	sld [smem:$0x3FBA];
	_ =	sdelay $0x3  }
0x37: {  	[smem:$0x3FBA] =	sst s10  }
0x38: {  	s10 =	sld [smem:$0x3FBB]  }
0x39: {  	_ = 	snop;
	(pc) =	sbr.ind lr, $3  }
0x3a: {  	_ = 	snop  }
0x3b: {  	_ = 	snop  }
0x3c: {  	p2 =	seq.s32 s10, $0x1;
	s10 =	sld [smem:$0x3FBA]  }
0x3d: {  	_ =	shalt  }
0x3e: {  	_ =	shalt  }
0x3f: {  	_ =	shalt  }
0x40: {  	_ =	shalt  }
0x41: {  	_ =	shalt  }
0x42: {  	_ =	shalt  }
0x43: {  	_ =	shalt  }
0x44: {  	_ =	shalt  }
0x45: {  	_ =	shalt  }
0x46: {  	_ =	shalt  }
0x47: {  	_ =	shalt  }
0x48: {  	_ =	shalt  }
0x49: {  	_ =	shalt  }
0x4a: {  	_ =	shalt  }
0x4b: {  	_ =	shalt  }
0x4c: {  	_ =	shalt  }
0x4d: {  	_ =	shalt  }
0x4e: {  	_ =	shalt  }
0x4f: {  	_ =	shalt  }
0x50: {  	_ =	shalt  }
0x51: {  	_ =	shalt  }
0x52: {  	_ =	shalt  }
0x53: {  	_ =	shalt  }
0x54: {  	_ =	shalt  }
0x55: {  	_ =	shalt  }
0x56: {  	_ =	shalt  }
0x57: {  	_ =	shalt  }
0x58: {  	_ =	shalt  }
0x59: {  	_ =	shalt  }
0x5a: {  	_ =	shalt  }
0x5b: {  	_ =	shalt  }
0x5c: {  	_ =	shalt  }
0x5d: {  	_ =	shalt  }
0x5e: {  	_ =	shalt  }
0x5f: {  	_ =	shalt  }
0x60: {  	_ =	shalt  }
0x61: {  	_ =	shalt  }
0x62: {  	_ =	shalt  }
0x63: {  	_ =	shalt  }
0x64: {  	_ =	shalt  }
0x65: {  	_ =	shalt  }
0x66: {  	_ =	shalt  }
0x67: {  	_ =	shalt  }
0x68: {  	_ =	shalt  }
0x69: {  	_ =	shalt  }
0x6a: {  	_ =	shalt  }
0x6b: {  	_ =	shalt  }
0x6c: {  	_ =	shalt  }
0x6d: {  	_ =	shalt  }
0x6e: {  	_ =	shalt  }
0x6f: {  	_ =	shalt  }
0x70: {  	_ =	shalt  }
0x71: {  	_ =	shalt  }
0x72: {  	_ =	shalt  }
0x73: {  	_ =	shalt  }
0x74: {  	_ =	shalt  }
0x75: {  	_ =	shalt  }
0x76: {  	_ =	shalt  }
0x77: {  	_ =	shalt  }
0x78: {  	_ =	shalt  }
0x79: {  	_ =	shalt  }
0x7a: {  	_ =	shalt  }
0x7b: {  	_ =	shalt  }
0x7c: {  	_ =	shalt  }
0x7d: {  	_ =	shalt  }
0x7e: {  	_ =	shalt  }
0x7f: {  	_ =	shalt  }
0x80: {  	_ =	shalt  }
0x81: {  	_ =	shalt  }
0x82: {  	_ =	shalt  }
0x83: {  	_ =	shalt  }
0x84: {  	_ =	shalt  }
0x85: {  	_ =	shalt  }
0x86: {  	_ =	shalt  }
0x87: {  	_ =	shalt  }
.Lfunc_end0:
.L_simem_size_0:
called_computation_lowered:
.L_overlay_start_0:
0x88: {  	s2 =	sld [smem:$0x3FD9]  }
0x89: {  	s3 =	sld [smem:$0x3FFE];
	_ =	sdelay $0x1  }
0x8a: {  	s1 =	srdreg.scid  }
0x8b: {  	s0 =	sand.u32 $0x1, s1  }
0x8c: {  	s17 =	sshll.u32 s0, $0xA;
	s2 =	sadd.s32 s3, s2  }
0x8d: {  	s2 =	sadd.s32 s2, s17  }
0x8e: {  	[smem:$0x3FC6] =	sst s2  }
0x8f: {  	_ = 	snop  }
0x90: {  	s2 =	sld [smem:$0x3FD0];
	(tm) =	ssettm $0x1  }
0x91: {  	s18 =	sld [smem:$0x3FFB];
	_ =	sdelay $0x3  }
0x92: {  	_ =	strace s18  }
0x93: {  	s3 =	sld [smem:$0x3FFC];
	_ =	sdelay $0x3  }
0x94: {  	_ =	strace s3  }
0x95: {  	s3 =	sld [smem:$0x3FFD];
	_ =	sdelay $0x3  }
0x96: {  	_ =	strace s3  }
0x97: {  	_ =	strace $0x8FFFFFFF  }
0x98: {  	s19 =	sld [smem:$0x3FDB];
	_ =	sdelay $0x1  }
0x99: {  	s4 =	simm.s32 $_scs_section_size  }
0x9a: {  	s5 =	simm.s32 $_size__tile_overlayer_lowered;
	s6 =	simm.s32 $_tile_overlayer_lowered  }
0x9b: {  	s22 =	simm.s32 $0x1BFF;
	s21 =	sshll.u32 s6, $0x1;
	s3 =	sadd.s32 s4, s19  }
0x9c: {  	s7 =	simm.s32 $0x0;
	s20 =	sshll.u32 s5, $0x1;
	s5 =	sadd.s32 s21, s3  }
0x9d: {  	[timem:s7], [sflag:s22] =	dma.local [hbm:s5], s20  }
0x9e: {  	_ =	swait.ge [sflag:s22], s20  }
0x9f: {  	s4 =	ssub.s32 $0x0, s20;
	[sflag:s22] =	ssyncset.done $0x0  }
0xa0: {  	[sflag:s22] =	ssyncadd.s32 s4;
	_ =	sdelay $0x1  }
0xa1: {  	s23 =	simm.s32 $0x1B8B  }
0xa2: {  	_ =	swait.ge [sflag:s23], $0x1  }
0xa3: {  	[sflag:s23] =	ssyncset.done $0x0  }
0xa4: {  	s25 =	simm.s32 $0x1B8E;
	s24 =	sld [smem:$0x3FFE];
	[sflag:s23] =	ssyncadd.s32 $0xFFFFFFFF  }
0xa5: {  	s26 =	simm.s32 $execute0_lowered;
	[smem:$0x3FD2] =	sst s25  }
0xa6: {  	s5 =	sshll.u32 s26, $0x1;
	_ =	strace $0x80000046;
	[dreg:$0x1] =	wrdreg $0xFFFFFFFF  }
0xa7: {  	s28 =	simm.s32 $_size_execute0_lowered;
	s3 =	sadd.s32 s3, s5;
	[dreg:$0x0] =	wrdreg $0x0  }
0xa8: {  	s5 =	sshll.u32 s28, $0x1;
	[dreg:$0x2] =	wrdreg s3  }
0xa9: {  	[dreg:$0x3] =	wrdreg s5  }
0xaa: {  	[dreg:$0x4] =	wrdreg $0xC0  }
0xab: {  	_ =	task [dreg:s7], $0x5FFFF  }
0xac: {  	[dreg:$0x1] =	wrdreg $0xFFFFFFFF  }
0xad: {  	[dreg:$0x0] =	wrdreg $0x60  }
0xae: {  	[dreg:$0x2] =	wrdreg s24  }
0xaf: {  	[dreg:$0x3] =	wrdreg s2  }
0xb0: {  	[dreg:$0x4] =	wrdreg $0x9  }
0xb1: {  	_ =	task.clear_ibuf [dreg:s7], $0x5FFFF;
	_ =	strace $0x90000046  }
0xb2: {  	s29 =	simm.s32 $0x9;
	_ =	strace $0x80000048  }
0xb3: {  	_ =	swait.ge [sflag:s29], $0x1  }
0xb4: {  	[sflag:s29] =	ssyncadd.s32 $0xFFFFFFFF  }
0xb5: {  	_ =	strace $0x90000048  }
0xb6: {  	_ =	sfence  }
0xb7: {  	s30 =	sld [smem:$0x0];
	_ =	sdelay $0x2  }
0xb8: {  	s31 =	sshll.u32 s1, $0xD;
	s1 =	sshrl.u32 s1, $0x2  }
0xb9: {  	s3 =	sand.u32 $0x4000, s31;
	s1 =	sadd.s32 s1, s30  }
0xba: {  	s0 =	sor.u32 s3, s0;
	s1 =	sshll.u32 s1, $0x11  }
0xbb: {  	s0 =	sor.u32 s1, s0  }
0xbc: {  	s0 =	sadd.s32 $0x8F2B, s0  }
0xbd: {  	[sflag:s0] =	ssyncadd.remote.s32 $0x1  }
0xbe: {  	_ =	sfence.sel $0xFFFF  }
0xbf: {  	[dreg:$0x0] =	wrdreg $0xFFFFFFFF;
	(pc) =	sbr.abs _section_cstart, $3  }
0xc0: {  	[dreg:$0x1] =	wrdreg $0xFFFFFFFF  }
0xc1: {  	_ =	task.clear_ibuf [dreg:s7], $0x2FFFF;
	_ =	strace $0x9FFFFFFF  }
0xc2: {  	(tm) =	ssettm $0x7FFFFFFF  }
0xc3: {  	_ =	shalt  }
tec
execute0_lowered:
.L_overlay_start_1:
0x0: {  	(tag) =	ssettag $0x1  }
0x1: {  	s0 =	srdreg.scid  }
0x2: {  	s2 =	stileid.u32;
	s0 =	sand.u32 $0x1, s0  }
0x3: {  	s2 =	sshll.u32 s2, $0x6;
	s3 =	sshll.u32 s0, $0x5  }
0x4: {  	s1 =	rddreg [dreg:$0x0];
	s4 =	simm.s32 $0x0;
	s3 =	sor.u32 s3, s2  }
0x5: {  	s28 =	simm.s32 $0x400;
	s29 =	simm.s32 $0x5580;
	s2 =	sshrl.u32 s3, $0x3  }
0x6: {  	[smem:$0x7FF] =	sst s4;
	s0 =	ssub.s32 $0x2, s0;
	s8 =	smul.u32 $0x5580, s2  }
0x7: {  	s5 =	sadd.s32 $0x400, s1;
	s6 =	sadd.s32 $0x2AC400, s1;
	s7 =	sshrl.u32 s0, $0x1  }
0x8: {  	s0 =	ssub.s32 s0, s7;
	s14 =	sor.u32 $0x10, s8;
	s7 =	sadd.s32 s5, s8  }
0x9: {  	s15 =	sor.u32 $0x20, s8;
	s16 =	sor.u32 $0x30, s8;
	s8 =	sadd.s32 s6, s8  }
0xa: {  	_ =	strace $0x80000047;
	s9 =	sadd.s32 s5, s14;
	[dreg:$0x5] =	wrdreg s8  }
0xb: {  	s30 =	simm.s32 $0xAB00;
	s10 =	sadd.s32 s5, s15;
	[dreg:$0x3] =	wrdreg s9  }
0xc: {  	s31 =	simm.s32 $0x1;
	s17 =	sadd.s32 s5, s16;
	[dreg:$0x4] =	wrdreg s10  }
0xd: {  	s11 =	simm.s32 $0x8;
	s1 =	sadd.s32 s6, s14;
	[dreg:$0x6] =	wrdreg s17  }
0xe: {  	s2 =	smul.u32 $0x2AC00, s2;
	s18 =	sadd.s32 $0x40, s7;
	[dreg:$0x7] =	wrdreg s1  }
0xf: {  	s12 =	simm.s32 $0x0;
	s19 =	sadd.s32 s6, s15;
	[dreg:$0x8] =	wrdreg s18  }
0x10: {  	s20 =	sshrl.u32 s2, $0x3;
	s21 =	sadd.s32 $0x50, s7;
	[dreg:$0x9] =	wrdreg s19  }
0x11: {  	s2 =	simm.s32 $0x5;
	s22 =	sadd.s32 s6, s16;
	[dreg:$0xa] =	wrdreg s21  }
0x12: {  	s23 =	sadd.s32 s6, s20;
	s24 =	sadd.s32 $0x60, s7;
	[dreg:$0xb] =	wrdreg s22  }
0x13: {  	s8 =	simm.s32 $0x6;
	[dreg:$0xc] =	wrdreg s24;
	s25 =	sadd.s32 $0x100C0, s23  }
0x14: {  	s1 =	sadd.s32 $0x100F0, s20;
	s20 =	sadd.s32 $0x100D0, s23;
	s21 =	sadd.s32 $0x100E0, s23  }
0x15: {  	s23 =	smax.u32 s0, $0x1;
	s0 =	simm.s32 $0x2;
	s24 =	simm.s32 $0x3  }
0x16: {  	v0 =	vimm.s32 $0x5552;
	vm0 =	vcmask $0x300;
	s9 =	simm.s32 $0x4;
	s10 =	simm.s32 $0x7;
	[dreg:$0xd] =	wrdreg s25  }
0x17: {  	vm1 =	vcmask $0x704;
	v0 =	vsel vm0, $0x5550, v0;
	s26 =	sadd.s32 s5, s1;
	s22 =	sadd.s32 s6, s1;
	s25 =	simm.s32 $0x9  }
0x18: {  	vm0 =	vcmask $0x3F04;
	v0 =	vsel vm1, $0x5551, v0;
	s1 =	simm.s32 $0x10080;
	[dreg:$0xe] =	wrdreg s26;
	s26 =	simm.s32 $0x80  }
.LBB2_1:
0x19: {  	s13 =	rddreg [dreg:$0x1];
	s14 =	simm.s32 $0x15600  }
0x1a: {  	[tilespmem:s14], [sflag:$0x9] =	stream.linear.gather [hbm4b:s13+s4], $0x5580, $0x38;
	[tilespmem:$0x1AB80] =	vst v63  }
0x1b: {  	_ =	swait.ge [sflag:s25], $0x5580  }
0x1c: {  	[sflag:s25] =	ssyncset.done $0x0  }
0x1d: {  	[sflag:s25] =	ssyncadd.s32 $0xFFFFAA80  }
0x1e: {  	[tilespmem:s4], [sflag:$0x1] =	stream.strided.gather [hbm4b:s7+s26], $0x5580, s28, s26, $0x38;
	[tilespmem:$0x1AB80] =	vst v63  }
0x1f: {  	s17 =	rddreg [dreg:$0x3]  }
0x20: {  	[tilespmem:s29], [sflag:$0x2] =	stream.strided.gather [hbm4b:s17+s26], $0x5580, s28, s26, $0x38;
	[tilespmem:$0x1AB80] =	vst v63  }
0x21: {  	s18 =	rddreg [dreg:$0x4]  }
0x22: {  	[tilespmem:s30], [sflag:$0x3] =	stream.strided.gather [hbm4b:s18+s26], $0x5580, s28, s26, $0x38;
	[tilespmem:$0x1AB80] =	vst v63  }
0x23: {  	_ =	swait.ge [sflag:s31], $0x5580  }
0x24: {  	[sflag:s31] =	ssyncset.done $0x0  }
0x25: {  	[sflag:s31] =	ssyncadd.s32 $0xFFFFAA80  }
0x26: {  	v1 =	vld [tilespmem:$0x15600]  }
0x27: {  	v2 =	vld [tilespmem:$0x0];
	_ =	sdelay $0x4  }
0x28: {  	v2 =	vsub.f32 $0.0e+00, v2;
	_ =	sdelay $0x1  }
0x29: {  	s19 =	simm.s32 $0x15640;
	[tilespmem:v1+s4+$0x0] =	vst.idx.add.f32.msk vm0, v2  }
0x2a: {  	s13 =	simm.s32 $0x20;
	v5 =	vld [tilespmem:s19+$0x0]  }
0x2b: {  	v2 =	vld [tilespmem:s13+$0x20]  }
0x2c: {  	v4 =	vld [tilespmem:s13+$0x0]  }
0x2d: {  	v7 =	vld [tilespmem:s13+$0x10]  }
0x2e: {  	v8 =	vld [tilespmem:s13+$0xFFFFFFF0]  }
0x2f: {  	v6 =	vld [tilespmem:s19+$0xFFFFFFF0];
	_ =	sdelay $0x1  }
0x30: {  	v1 =	vld [tilespmem:s19+$0xFFFFFFD0];
	v9 =	vsub.f32 $0.0e+00, v2  }
0x31: {  	v3 =	vld [tilespmem:s19+$0xFFFFFFE0];
	v2 =	vsub.f32 $0.0e+00, v4  }
0x32: {  	s15 =	simm.s32 $0x15680;
	s14 =	simm.s32 $0x1;
	v4 =	vsub.f32 $0.0e+00, v7;
	[tilespmem:v5+s4+$0x0] =	vst.idx.add.f32.msk $0xffff, v9;
	v5 =	vsub.f32 $0.0e+00, v8  }
.LBB2_2:
0x33: {  	v7 =	vld [tilespmem:s15+$0x0];
	s14 =	sadd.s32 $0x4, s14;
	s13 =	sadd.s32 $0x40, s13;
	v8 =	vmov v6  }
0x34: {  	v6 =	vld [tilespmem:s13+$0x20];
	p0 =	slt.u32 s14, $0x551  }
0x35: {  	v9 =	vld [tilespmem:s13+$0x0]  }
0x36: {  	v10 =	vld [tilespmem:s13+$0x10]  }
0x37: {  	v11 =	vld [tilespmem:s13+$0xFFFFFFF0]  }
0x38: {  	v12 =	vld [tilespmem:s15+$0xFFFFFFD0]  }
0x39: {  	v13 =	vld [tilespmem:s15+$0xFFFFFFE0];
	v14 =	vsub.f32 $0.0e+00, v6  }
.Ltmp0:
0x3a: {  	v9 =	vsub.f32 $0.0e+00, v9;
	v6 =	vld [tilespmem:s15+$0xFFFFFFF0];
	(pc) =	sbr.rel @p0 .LBB2_2-.Ltmp0, $4  }
0x3b: {  	v10 =	vsub.f32 $0.0e+00, v10;
	[tilespmem:v7+s4+$0x0] =	vst.idx.add.f32.msk $0xffff, v14  }
0x3c: {  	[tilespmem:v1+s4+$0x0] =	vst.idx.add.f32.msk $0xffff, v5;
	v5 =	vsub.f32 $0.0e+00, v11  }
0x3d: {  	[tilespmem:v3+s4+$0x0] =	vst.idx.add.f32.msk $0xffff, v2;
	v1 =	vmov v12;
	v2 =	vmov v9  }
0x3e: {  	s15 =	sadd.s32 $0x40, s15;
	[tilespmem:v8+s4+$0x0] =	vst.idx.add.f32.msk $0xffff, v4;
	v3 =	vmov v13;
	v4 =	vmov v10  }
0x3f: {  	_ =	sdelay $0x3  }
0x40: {  	[tilespmem:v1+s4+$0x0] =	vst.idx.add.f32.msk $0xffff, v5  }
0x41: {  	[tilespmem:v3+s4+$0x0] =	vst.idx.add.f32.msk $0xffff, v2  }
0x42: {  	[tilespmem:v6+s4+$0x0] =	vst.idx.add.f32.msk $0xffff, v4  }
0x43: {  	v1 =	vld [tilespmem:$0x1AB50]  }
0x44: {  	v2 =	vld.idx.msk [tilespmem:v0+s4+$0x0], $0x7;
	_ =	sdelay $0x4  }
0x45: {  	v2 =	vsub.f32 $0.0e+00, v2;
	_ =	sdelay $0x1  }
0x46: {  	s13 =	rddreg [dreg:$0x5];
	[tilespmem:v1+s4+$0x0] =	vst.idx.add.f32.msk $0x7, v2  }
0x47: {  	[hbm4b:s13+s26] =	stream.strided.scatter [tilespmem:s4], [sflag:$0x5], $0x5580, s28, s26, $0x38;
	[tilespmem:$0x1AB80] =	vst v63  }
0x48: {  	s19 =	rddreg [dreg:$0x6]  }
0x49: {  	[tilespmem:s1], [sflag:$0x4] =	stream.strided.gather [hbm4b:s19+s26], $0x5580, s28, s26, $0x38;
	[tilespmem:$0x1AB80] =	vst v63  }
0x4a: {  	_ =	swait.ge [sflag:s0], $0x5580  }
0x4b: {  	[sflag:s0] =	ssyncset.done $0x0  }
0x4c: {  	[sflag:s0] =	ssyncadd.s32 $0xFFFFAA80  }
0x4d: {  	v1 =	vld [tilespmem:$0x15600]  }
0x4e: {  	v2 =	vld [tilespmem:$0x5580];
	_ =	sdelay $0x4  }
0x4f: {  	v2 =	vsub.f32 $0.0e+00, v2;
	_ =	sdelay $0x1  }
0x50: {  	s14 =	simm.s32 $0x15640;
	[tilespmem:v1+s29+$0x0] =	vst.idx.add.f32.msk vm0, v2  }
0x51: {  	s13 =	simm.s32 $0x55A0;
	v5 =	vld [tilespmem:s14+$0x0]  }
0x52: {  	v2 =	vld [tilespmem:s13+$0x20]  }
0x53: {  	v4 =	vld [tilespmem:s13+$0x0]  }
0x54: {  	v7 =	vld [tilespmem:s13+$0x10]  }
0x55: {  	v8 =	vld [tilespmem:s13+$0xFFFFFFF0]  }
0x56: {  	v6 =	vld [tilespmem:s14+$0xFFFFFFF0];
	_ =	sdelay $0x1  }
0x57: {  	v1 =	vld [tilespmem:s14+$0xFFFFFFD0];
	v9 =	vsub.f32 $0.0e+00, v2  }
0x58: {  	v3 =	vld [tilespmem:s14+$0xFFFFFFE0];
	v2 =	vsub.f32 $0.0e+00, v4  }
0x59: {  	s15 =	simm.s32 $0x15680;
	s14 =	simm.s32 $0x1;
	v4 =	vsub.f32 $0.0e+00, v7;
	[tilespmem:v5+s29+$0x0] =	vst.idx.add.f32.msk $0xffff, v9;
	v5 =	vsub.f32 $0.0e+00, v8  }
.LBB2_4:
0x5a: {  	v7 =	vld [tilespmem:s15+$0x0];
	s14 =	sadd.s32 $0x4, s14;
	s13 =	sadd.s32 $0x40, s13;
	v8 =	vmov v6  }
0x5b: {  	v6 =	vld [tilespmem:s13+$0x20];
	p0 =	slt.u32 s14, $0x551  }
0x5c: {  	v9 =	vld [tilespmem:s13+$0x0]  }
0x5d: {  	v10 =	vld [tilespmem:s13+$0x10]  }
0x5e: {  	v11 =	vld [tilespmem:s13+$0xFFFFFFF0]  }
0x5f: {  	v12 =	vld [tilespmem:s15+$0xFFFFFFD0]  }
0x60: {  	v13 =	vld [tilespmem:s15+$0xFFFFFFE0];
	v14 =	vsub.f32 $0.0e+00, v6  }
.Ltmp1:
0x61: {  	v9 =	vsub.f32 $0.0e+00, v9;
	v6 =	vld [tilespmem:s15+$0xFFFFFFF0];
	(pc) =	sbr.rel @p0 .LBB2_4-.Ltmp1, $4  }
0x62: {  	v10 =	vsub.f32 $0.0e+00, v10;
	[tilespmem:v7+s29+$0x0] =	vst.idx.add.f32.msk $0xffff, v14  }
0x63: {  	[tilespmem:v1+s29+$0x0] =	vst.idx.add.f32.msk $0xffff, v5;
	v5 =	vsub.f32 $0.0e+00, v11  }
0x64: {  	[tilespmem:v3+s29+$0x0] =	vst.idx.add.f32.msk $0xffff, v2;
	v1 =	vmov v12;
	v2 =	vmov v9  }
0x65: {  	s15 =	sadd.s32 $0x40, s15;
	[tilespmem:v8+s29+$0x0] =	vst.idx.add.f32.msk $0xffff, v4;
	v3 =	vmov v13;
	v4 =	vmov v10  }
0x66: {  	_ =	sdelay $0x3  }
0x67: {  	[tilespmem:v1+s29+$0x0] =	vst.idx.add.f32.msk $0xffff, v5  }
0x68: {  	[tilespmem:v3+s29+$0x0] =	vst.idx.add.f32.msk $0xffff, v2  }
0x69: {  	[tilespmem:v6+s29+$0x0] =	vst.idx.add.f32.msk $0xffff, v4  }
0x6a: {  	v1 =	vld [tilespmem:$0x1AB50]  }
0x6b: {  	v2 =	vld.idx.msk [tilespmem:v0+s29+$0x0], $0x7;
	_ =	sdelay $0x4  }
0x6c: {  	v2 =	vsub.f32 $0.0e+00, v2;
	_ =	sdelay $0x1  }
0x6d: {  	s13 =	rddreg [dreg:$0x7];
	[tilespmem:v1+s29+$0x0] =	vst.idx.add.f32.msk $0x7, v2  }
0x6e: {  	[hbm4b:s13+s26] =	stream.strided.scatter [tilespmem:s29], [sflag:$0x6], $0x5580, s28, s26, $0x38;
	[tilespmem:$0x1AB80] =	vst v63  }
0x6f: {  	_ =	swait.ge [sflag:s2], $0x5580  }
0x70: {  	[sflag:s2] =	ssyncset.done $0x0  }
0x71: {  	s19 =	rddreg [dreg:$0x8];
	[sflag:s2] =	ssyncadd.s32 $0xFFFFAA80  }
0x72: {  	[tilespmem:s4], [sflag:$0x1] =	stream.strided.gather [hbm4b:s19+s26], $0x5580, s28, s26, $0x38;
	[tilespmem:$0x1AB80] =	vst v63  }
0x73: {  	_ =	swait.ge [sflag:s24], $0x5580  }
0x74: {  	[sflag:s24] =	ssyncset.done $0x0  }
0x75: {  	[sflag:s24] =	ssyncadd.s32 $0xFFFFAA80  }
0x76: {  	v1 =	vld [tilespmem:$0x15600]  }
0x77: {  	v2 =	vld [tilespmem:$0xAB00];
	_ =	sdelay $0x4  }
0x78: {  	v2 =	vsub.f32 $0.0e+00, v2;
	_ =	sdelay $0x1  }
0x79: {  	s14 =	simm.s32 $0x15640;
	[tilespmem:v1+s30+$0x0] =	vst.idx.add.f32.msk vm0, v2  }
0x7a: {  	s13 =	simm.s32 $0xAB20;
	v5 =	vld [tilespmem:s14+$0x0]  }
0x7b: {  	v2 =	vld [tilespmem:s13+$0x20]  }
0x7c: {  	v4 =	vld [tilespmem:s13+$0x0]  }
0x7d: {  	v7 =	vld [tilespmem:s13+$0x10]  }
0x7e: {  	v8 =	vld [tilespmem:s13+$0xFFFFFFF0]  }
0x7f: {  	v6 =	vld [tilespmem:s14+$0xFFFFFFF0];
	_ =	sdelay $0x1  }
0x80: {  	v1 =	vld [tilespmem:s14+$0xFFFFFFD0];
	v9 =	vsub.f32 $0.0e+00, v2  }
0x81: {  	v3 =	vld [tilespmem:s14+$0xFFFFFFE0];
	v2 =	vsub.f32 $0.0e+00, v4  }
0x82: {  	s15 =	simm.s32 $0x15680;
	s14 =	simm.s32 $0x1;
	v4 =	vsub.f32 $0.0e+00, v7;
	[tilespmem:v5+s30+$0x0] =	vst.idx.add.f32.msk $0xffff, v9;
	v5 =	vsub.f32 $0.0e+00, v8  }
.LBB2_6:
0x83: {  	v7 =	vld [tilespmem:s15+$0x0];
	s14 =	sadd.s32 $0x4, s14;
	s13 =	sadd.s32 $0x40, s13;
	v8 =	vmov v6  }
0x84: {  	v6 =	vld [tilespmem:s13+$0x20];
	p0 =	slt.u32 s14, $0x551  }
0x85: {  	v9 =	vld [tilespmem:s13+$0x0]  }
0x86: {  	v10 =	vld [tilespmem:s13+$0x10]  }
0x87: {  	v11 =	vld [tilespmem:s13+$0xFFFFFFF0]  }
0x88: {  	v12 =	vld [tilespmem:s15+$0xFFFFFFD0]  }
0x89: {  	v13 =	vld [tilespmem:s15+$0xFFFFFFE0];
	v14 =	vsub.f32 $0.0e+00, v6  }
.Ltmp2:
0x8a: {  	v9 =	vsub.f32 $0.0e+00, v9;
	v6 =	vld [tilespmem:s15+$0xFFFFFFF0];
	(pc) =	sbr.rel @p0 .LBB2_6-.Ltmp2, $4  }
0x8b: {  	v10 =	vsub.f32 $0.0e+00, v10;
	[tilespmem:v7+s30+$0x0] =	vst.idx.add.f32.msk $0xffff, v14  }
0x8c: {  	[tilespmem:v1+s30+$0x0] =	vst.idx.add.f32.msk $0xffff, v5;
	v5 =	vsub.f32 $0.0e+00, v11  }
0x8d: {  	[tilespmem:v3+s30+$0x0] =	vst.idx.add.f32.msk $0xffff, v2;
	v1 =	vmov v12;
	v2 =	vmov v9  }
0x8e: {  	s15 =	sadd.s32 $0x40, s15;
	[tilespmem:v8+s30+$0x0] =	vst.idx.add.f32.msk $0xffff, v4;
	v3 =	vmov v13;
	v4 =	vmov v10  }
0x8f: {  	_ =	sdelay $0x3  }
0x90: {  	[tilespmem:v1+s30+$0x0] =	vst.idx.add.f32.msk $0xffff, v5  }
0x91: {  	[tilespmem:v3+s30+$0x0] =	vst.idx.add.f32.msk $0xffff, v2  }
0x92: {  	[tilespmem:v6+s30+$0x0] =	vst.idx.add.f32.msk $0xffff, v4  }
0x93: {  	v1 =	vld [tilespmem:$0x1AB50]  }
0x94: {  	v2 =	vld.idx.msk [tilespmem:v0+s30+$0x0], $0x7;
	_ =	sdelay $0x4  }
0x95: {  	v2 =	vsub.f32 $0.0e+00, v2;
	_ =	sdelay $0x1  }
0x96: {  	s13 =	rddreg [dreg:$0x9];
	[tilespmem:v1+s30+$0x0] =	vst.idx.add.f32.msk $0x7, v2  }
0x97: {  	[hbm4b:s13+s26] =	stream.strided.scatter [tilespmem:s30], [sflag:$0x7], $0x5580, s28, s26, $0x38;
	[tilespmem:$0x1AB80] =	vst v63  }
0x98: {  	_ =	swait.ge [sflag:s8], $0x5580  }
0x99: {  	[sflag:s8] =	ssyncset.done $0x0  }
0x9a: {  	s19 =	rddreg [dreg:$0xa];
	[sflag:s8] =	ssyncadd.s32 $0xFFFFAA80  }
0x9b: {  	[tilespmem:s29], [sflag:$0x2] =	stream.strided.gather [hbm4b:s19+s26], $0x5580, s28, s26, $0x38;
	[tilespmem:$0x1AB80] =	vst v63  }
0x9c: {  	_ =	swait.ge [sflag:s9], $0x5580  }
0x9d: {  	[sflag:s9] =	ssyncset.done $0x0  }
0x9e: {  	[sflag:s9] =	ssyncadd.s32 $0xFFFFAA80  }
0x9f: {  	v1 =	vld [tilespmem:$0x15600]  }
0xa0: {  	v2 =	vld [tilespmem:$0x10080];
	_ =	sdelay $0x4  }
0xa1: {  	v2 =	vsub.f32 $0.0e+00, v2;
	_ =	sdelay $0x1  }
0xa2: {  	s14 =	simm.s32 $0x15640;
	[tilespmem:v1+s1+$0x0] =	vst.idx.add.f32.msk vm0, v2  }
0xa3: {  	s13 =	simm.s32 $0x100A0;
	v5 =	vld [tilespmem:s14+$0x0]  }
0xa4: {  	v2 =	vld [tilespmem:s13+$0x20]  }
0xa5: {  	v4 =	vld [tilespmem:s13+$0x0]  }
0xa6: {  	v7 =	vld [tilespmem:s13+$0x10]  }
0xa7: {  	v8 =	vld [tilespmem:s13+$0xFFFFFFF0]  }
0xa8: {  	v6 =	vld [tilespmem:s14+$0xFFFFFFF0];
	_ =	sdelay $0x1  }
0xa9: {  	v1 =	vld [tilespmem:s14+$0xFFFFFFD0];
	v9 =	vsub.f32 $0.0e+00, v2  }
0xaa: {  	v3 =	vld [tilespmem:s14+$0xFFFFFFE0];
	v2 =	vsub.f32 $0.0e+00, v4  }
0xab: {  	s15 =	simm.s32 $0x15680;
	s14 =	simm.s32 $0x1;
	v4 =	vsub.f32 $0.0e+00, v7;
	[tilespmem:v5+s1+$0x0] =	vst.idx.add.f32.msk $0xffff, v9;
	v5 =	vsub.f32 $0.0e+00, v8  }
.LBB2_8:
0xac: {  	v7 =	vld [tilespmem:s15+$0x0];
	s14 =	sadd.s32 $0x4, s14;
	s13 =	sadd.s32 $0x40, s13;
	v8 =	vmov v6  }
0xad: {  	v6 =	vld [tilespmem:s13+$0x20];
	p0 =	slt.u32 s14, $0x551  }
0xae: {  	v9 =	vld [tilespmem:s13+$0x0]  }
0xaf: {  	v10 =	vld [tilespmem:s13+$0x10]  }
0xb0: {  	v11 =	vld [tilespmem:s13+$0xFFFFFFF0]  }
0xb1: {  	v12 =	vld [tilespmem:s15+$0xFFFFFFD0]  }
0xb2: {  	v13 =	vld [tilespmem:s15+$0xFFFFFFE0];
	v14 =	vsub.f32 $0.0e+00, v6  }
.Ltmp3:
0xb3: {  	v9 =	vsub.f32 $0.0e+00, v9;
	v6 =	vld [tilespmem:s15+$0xFFFFFFF0];
	(pc) =	sbr.rel @p0 .LBB2_8-.Ltmp3, $4  }
0xb4: {  	v10 =	vsub.f32 $0.0e+00, v10;
	[tilespmem:v7+s1+$0x0] =	vst.idx.add.f32.msk $0xffff, v14  }
0xb5: {  	[tilespmem:v1+s1+$0x0] =	vst.idx.add.f32.msk $0xffff, v5;
	v5 =	vsub.f32 $0.0e+00, v11  }
0xb6: {  	[tilespmem:v3+s1+$0x0] =	vst.idx.add.f32.msk $0xffff, v2;
	v1 =	vmov v12;
	v2 =	vmov v9  }
0xb7: {  	s15 =	sadd.s32 $0x40, s15;
	[tilespmem:v8+s1+$0x0] =	vst.idx.add.f32.msk $0xffff, v4;
	v3 =	vmov v13;
	v4 =	vmov v10  }
0xb8: {  	_ =	sdelay $0x3  }
0xb9: {  	[tilespmem:v1+s1+$0x0] =	vst.idx.add.f32.msk $0xffff, v5  }
0xba: {  	[tilespmem:v3+s1+$0x0] =	vst.idx.add.f32.msk $0xffff, v2  }
0xbb: {  	[tilespmem:v6+s1+$0x0] =	vst.idx.add.f32.msk $0xffff, v4  }
0xbc: {  	v1 =	vld [tilespmem:$0x1AB50]  }
0xbd: {  	v2 =	vld.idx.msk [tilespmem:v0+s1+$0x0], $0x7;
	_ =	sdelay $0x4  }
0xbe: {  	v2 =	vsub.f32 $0.0e+00, v2;
	_ =	sdelay $0x1  }
0xbf: {  	s13 =	rddreg [dreg:$0xb];
	[tilespmem:v1+s1+$0x0] =	vst.idx.add.f32.msk $0x7, v2  }
0xc0: {  	[hbm4b:s13+s26] =	stream.strided.scatter [tilespmem:s1], [sflag:$0x8], $0x5580, s28, s26, $0x38;
	[tilespmem:$0x1AB80] =	vst v63  }
0xc1: {  	_ =	swait.ge [sflag:s10], $0x5580  }
0xc2: {  	[sflag:s10] =	ssyncset.done $0x0  }
0xc3: {  	s13 =	simm.s32 $0x1;
	s19 =	rddreg [dreg:$0xc];
	[sflag:s10] =	ssyncadd.s32 $0xFFFFAA80  }
0xc4: {  	[tilespmem:s30], [sflag:$0x3] =	stream.strided.gather [hbm4b:s19+s26], $0x5580, s28, s26, $0x38;
	[tilespmem:$0x1AB80] =	vst v63  }
.LBB2_10:
0xc5: {  	_ =	swait.ge [sflag:s31], $0x5580  }
0xc6: {  	[sflag:s31] =	ssyncset.done $0x0  }
0xc7: {  	[sflag:s31] =	ssyncadd.s32 $0xFFFFAA80  }
0xc8: {  	v1 =	vld [tilespmem:$0x15600]  }
0xc9: {  	v2 =	vld [tilespmem:$0x0];
	_ =	sdelay $0x4  }
0xca: {  	v2 =	vsub.f32 $0.0e+00, v2;
	_ =	sdelay $0x1  }
0xcb: {  	s15 =	simm.s32 $0x15640;
	[tilespmem:v1+s4+$0x0] =	vst.idx.add.f32.msk vm0, v2  }
0xcc: {  	s14 =	simm.s32 $0x20;
	v5 =	vld [tilespmem:s15+$0x0]  }
0xcd: {  	v2 =	vld [tilespmem:s14+$0x20]  }
0xce: {  	v4 =	vld [tilespmem:s14+$0x0]  }
0xcf: {  	v7 =	vld [tilespmem:s14+$0x10]  }
0xd0: {  	v8 =	vld [tilespmem:s14+$0xFFFFFFF0]  }
0xd1: {  	v6 =	vld [tilespmem:s15+$0xFFFFFFF0];
	_ =	sdelay $0x1  }
0xd2: {  	v1 =	vld [tilespmem:s15+$0xFFFFFFD0];
	v9 =	vsub.f32 $0.0e+00, v2  }
0xd3: {  	v3 =	vld [tilespmem:s15+$0xFFFFFFE0];
	v2 =	vsub.f32 $0.0e+00, v4  }
0xd4: {  	s16 =	simm.s32 $0x15680;
	s15 =	simm.s32 $0x1;
	v4 =	vsub.f32 $0.0e+00, v7;
	[tilespmem:v5+s4+$0x0] =	vst.idx.add.f32.msk $0xffff, v9;
	v5 =	vsub.f32 $0.0e+00, v8  }
.LBB2_11:
0xd5: {  	v7 =	vld [tilespmem:s16+$0x0];
	s15 =	sadd.s32 $0x4, s15;
	s14 =	sadd.s32 $0x40, s14;
	v8 =	vmov v6  }
0xd6: {  	v6 =	vld [tilespmem:s14+$0x20];
	p0 =	slt.u32 s15, $0x551  }
0xd7: {  	v9 =	vld [tilespmem:s14+$0x0]  }
0xd8: {  	v10 =	vld [tilespmem:s14+$0x10]  }
0xd9: {  	v11 =	vld [tilespmem:s14+$0xFFFFFFF0]  }
0xda: {  	v12 =	vld [tilespmem:s16+$0xFFFFFFD0]  }
0xdb: {  	v13 =	vld [tilespmem:s16+$0xFFFFFFE0];
	v14 =	vsub.f32 $0.0e+00, v6  }
.Ltmp4:
0xdc: {  	v9 =	vsub.f32 $0.0e+00, v9;
	v6 =	vld [tilespmem:s16+$0xFFFFFFF0];
	(pc) =	sbr.rel @p0 .LBB2_11-.Ltmp4, $4  }
0xdd: {  	v10 =	vsub.f32 $0.0e+00, v10;
	[tilespmem:v7+s4+$0x0] =	vst.idx.add.f32.msk $0xffff, v14  }
0xde: {  	[tilespmem:v1+s4+$0x0] =	vst.idx.add.f32.msk $0xffff, v5;
	v5 =	vsub.f32 $0.0e+00, v11  }
0xdf: {  	[tilespmem:v3+s4+$0x0] =	vst.idx.add.f32.msk $0xffff, v2;
	v1 =	vmov v12;
	v2 =	vmov v9  }
0xe0: {  	s16 =	sadd.s32 $0x40, s16;
	[tilespmem:v8+s4+$0x0] =	vst.idx.add.f32.msk $0xffff, v4;
	v3 =	vmov v13;
	v4 =	vmov v10  }
0xe1: {  	_ =	sdelay $0x3  }
0xe2: {  	[tilespmem:v1+s4+$0x0] =	vst.idx.add.f32.msk $0xffff, v5  }
0xe3: {  	[tilespmem:v3+s4+$0x0] =	vst.idx.add.f32.msk $0xffff, v2  }
0xe4: {  	[tilespmem:v6+s4+$0x0] =	vst.idx.add.f32.msk $0xffff, v4  }
0xe5: {  	v1 =	vld [tilespmem:$0x1AB50]  }
0xe6: {  	s14 =	sshll.u32 s13, $0x2;
	v2 =	vld.idx.msk [tilespmem:v0+s4+$0x0], $0x7  }
0xe7: {  	s14 =	sadd.s32 s3, s14  }
0xe8: {  	s15 =	sshrl.u32 s14, $0x3  }
0xe9: {  	s16 =	sshll.u32 s13, $0x9;
	s15 =	smul.u32 $0x2AC00, s15  }
0xea: {  	s16 =	sand.u32 $0x200, s16  }
0xeb: {  	s15 =	sor.u32 s16, s15;
	v2 =	vsub.f32 $0.0e+00, v2  }
0xec: {  	s16 =	sshrl.u32 s15, $0x3  }
0xed: {  	s15 =	sadd.s32 s6, s16;
	[tilespmem:v1+s4+$0x0] =	vst.idx.add.f32.msk $0x7, v2  }
0xee: {  	[hbm4b:s15+s26] =	stream.strided.scatter [tilespmem:s4], [sflag:$0x5], $0x5580, s28, s26, $0x38;
	[tilespmem:$0x1AB80] =	vst v63  }
0xef: {  	_ =	swait.ge [sflag:s11], $0x5580  }
0xf0: {  	s15 =	sor.u32 $0x30, s16;
	[sflag:s11] =	ssyncset.done $0x0  }
0xf1: {  	s17 =	sadd.s32 s5, s15;
	[sflag:s11] =	ssyncadd.s32 $0xFFFFAA80  }
0xf2: {  	[tilespmem:s1], [sflag:$0x4] =	stream.strided.gather [hbm4b:s17+s26], $0x5580, s28, s26, $0x38;
	[tilespmem:$0x1AB80] =	vst v63  }
0xf3: {  	_ =	swait.ge [sflag:s0], $0x5580  }
0xf4: {  	[sflag:s0] =	ssyncset.done $0x0  }
0xf5: {  	[sflag:s0] =	ssyncadd.s32 $0xFFFFAA80  }
0xf6: {  	v1 =	vld [tilespmem:$0x15600]  }
0xf7: {  	v2 =	vld [tilespmem:$0x5580];
	_ =	sdelay $0x4  }
0xf8: {  	v2 =	vsub.f32 $0.0e+00, v2;
	_ =	sdelay $0x1  }
0xf9: {  	s18 =	simm.s32 $0x15640;
	[tilespmem:v1+s29+$0x0] =	vst.idx.add.f32.msk vm0, v2  }
0xfa: {  	s17 =	simm.s32 $0x55A0;
	v5 =	vld [tilespmem:s18+$0x0]  }
0xfb: {  	v2 =	vld [tilespmem:s17+$0x20]  }
0xfc: {  	v4 =	vld [tilespmem:s17+$0x0]  }
0xfd: {  	v7 =	vld [tilespmem:s17+$0x10]  }
0xfe: {  	v8 =	vld [tilespmem:s17+$0xFFFFFFF0]  }
0xff: {  	v6 =	vld [tilespmem:s18+$0xFFFFFFF0];
	_ =	sdelay $0x1  }
0x100: {  	v1 =	vld [tilespmem:s18+$0xFFFFFFD0];
	v9 =	vsub.f32 $0.0e+00, v2  }
0x101: {  	v3 =	vld [tilespmem:s18+$0xFFFFFFE0];
	v2 =	vsub.f32 $0.0e+00, v4  }
0x102: {  	s19 =	simm.s32 $0x15680;
	s18 =	simm.s32 $0x1;
	v4 =	vsub.f32 $0.0e+00, v7;
	[tilespmem:v5+s29+$0x0] =	vst.idx.add.f32.msk $0xffff, v9;
	v5 =	vsub.f32 $0.0e+00, v8  }
.LBB2_13:
0x103: {  	v7 =	vld [tilespmem:s19+$0x0];
	s18 =	sadd.s32 $0x4, s18;
	s17 =	sadd.s32 $0x40, s17;
	v8 =	vmov v6  }
0x104: {  	v6 =	vld [tilespmem:s17+$0x20];
	p0 =	slt.u32 s18, $0x551  }
0x105: {  	v9 =	vld [tilespmem:s17+$0x0]  }
0x106: {  	v10 =	vld [tilespmem:s17+$0x10]  }
0x107: {  	v11 =	vld [tilespmem:s17+$0xFFFFFFF0]  }
0x108: {  	v12 =	vld [tilespmem:s19+$0xFFFFFFD0]  }
0x109: {  	v13 =	vld [tilespmem:s19+$0xFFFFFFE0];
	v14 =	vsub.f32 $0.0e+00, v6  }
.Ltmp5:
0x10a: {  	v9 =	vsub.f32 $0.0e+00, v9;
	v6 =	vld [tilespmem:s19+$0xFFFFFFF0];
	(pc) =	sbr.rel @p0 .LBB2_13-.Ltmp5, $4  }
0x10b: {  	v10 =	vsub.f32 $0.0e+00, v10;
	[tilespmem:v7+s29+$0x0] =	vst.idx.add.f32.msk $0xffff, v14  }
0x10c: {  	[tilespmem:v1+s29+$0x0] =	vst.idx.add.f32.msk $0xffff, v5;
	v5 =	vsub.f32 $0.0e+00, v11  }
0x10d: {  	[tilespmem:v3+s29+$0x0] =	vst.idx.add.f32.msk $0xffff, v2;
	v1 =	vmov v12;
	v2 =	vmov v9  }
0x10e: {  	s19 =	sadd.s32 $0x40, s19;
	[tilespmem:v8+s29+$0x0] =	vst.idx.add.f32.msk $0xffff, v4;
	v3 =	vmov v13;
	v4 =	vmov v10  }
0x10f: {  	_ =	sdelay $0x3  }
0x110: {  	[tilespmem:v1+s29+$0x0] =	vst.idx.add.f32.msk $0xffff, v5  }
0x111: {  	[tilespmem:v3+s29+$0x0] =	vst.idx.add.f32.msk $0xffff, v2  }
0x112: {  	[tilespmem:v6+s29+$0x0] =	vst.idx.add.f32.msk $0xffff, v4  }
0x113: {  	v1 =	vld [tilespmem:$0x1AB50]  }
0x114: {  	v2 =	vld.idx.msk [tilespmem:v0+s29+$0x0], $0x7;
	_ =	sdelay $0x4  }
0x115: {  	v2 =	vsub.f32 $0.0e+00, v2  }
0x116: {  	s16 =	sadd.s32 s16, s6;
	s19 =	sadd.s32 $0x4, s14  }
0x117: {  	s17 =	sadd.s32 $0x10, s16;
	s18 =	sshrl.u32 s19, $0x3;
	[tilespmem:v1+s29+$0x0] =	vst.idx.add.f32.msk $0x7, v2  }
0x118: {  	[hbm4b:s17+s26] =	stream.strided.scatter [tilespmem:s29], [sflag:$0x6], $0x5580, s28, s26, $0x38;
	[tilespmem:$0x1AB80] =	vst v63  }
0x119: {  	s18 =	smul.u32 $0x2AC00, s18;
	s17 =	sshll.u32 s19, $0x7  }
0x11a: {  	s17 =	sand.u32 $0x200, s17  }
0x11b: {  	_ =	swait.ge [sflag:s2], $0x5580;
	s17 =	sor.u32 s17, s18  }
0x11c: {  	[sflag:s2] =	ssyncset.done $0x0;
	s17 =	sshrl.u32 s17, $0x3  }
0x11d: {  	[sflag:s2] =	ssyncadd.s32 $0xFFFFAA80;
	s17 =	sadd.s32 s5, s17  }
0x11e: {  	[tilespmem:s4], [sflag:$0x1] =	stream.strided.gather [hbm4b:s17+s26], $0x5580, s28, s26, $0x38;
	[tilespmem:$0x1AB80] =	vst v63  }
0x11f: {  	_ =	swait.ge [sflag:s24], $0x5580  }
0x120: {  	[sflag:s24] =	ssyncset.done $0x0  }
0x121: {  	[sflag:s24] =	ssyncadd.s32 $0xFFFFAA80  }
0x122: {  	v1 =	vld [tilespmem:$0x15600]  }
0x123: {  	v2 =	vld [tilespmem:$0xAB00];
	_ =	sdelay $0x4  }
0x124: {  	v2 =	vsub.f32 $0.0e+00, v2;
	_ =	sdelay $0x1  }
0x125: {  	s19 =	simm.s32 $0x15640;
	[tilespmem:v1+s30+$0x0] =	vst.idx.add.f32.msk vm0, v2  }
0x126: {  	s17 =	simm.s32 $0xAB20;
	v5 =	vld [tilespmem:s19+$0x0]  }
0x127: {  	v2 =	vld [tilespmem:s17+$0x20]  }
0x128: {  	v4 =	vld [tilespmem:s17+$0x0]  }
0x129: {  	v7 =	vld [tilespmem:s17+$0x10]  }
0x12a: {  	v8 =	vld [tilespmem:s17+$0xFFFFFFF0]  }
0x12b: {  	v6 =	vld [tilespmem:s19+$0xFFFFFFF0];
	_ =	sdelay $0x1  }
0x12c: {  	v1 =	vld [tilespmem:s19+$0xFFFFFFD0];
	v9 =	vsub.f32 $0.0e+00, v2  }
0x12d: {  	v3 =	vld [tilespmem:s19+$0xFFFFFFE0];
	v2 =	vsub.f32 $0.0e+00, v4  }
0x12e: {  	s18 =	simm.s32 $0x1;
	s19 =	simm.s32 $0x15680;
	v4 =	vsub.f32 $0.0e+00, v7;
	[tilespmem:v5+s30+$0x0] =	vst.idx.add.f32.msk $0xffff, v9;
	v5 =	vsub.f32 $0.0e+00, v8  }
.LBB2_15:
0x12f: {  	v7 =	vld [tilespmem:s19+$0x0];
	s18 =	sadd.s32 $0x4, s18;
	s17 =	sadd.s32 $0x40, s17;
	v8 =	vmov v6  }
0x130: {  	v6 =	vld [tilespmem:s17+$0x20];
	p0 =	slt.u32 s18, $0x551  }
0x131: {  	v9 =	vld [tilespmem:s17+$0x0]  }
0x132: {  	v10 =	vld [tilespmem:s17+$0x10]  }
0x133: {  	v11 =	vld [tilespmem:s17+$0xFFFFFFF0]  }
0x134: {  	v12 =	vld [tilespmem:s19+$0xFFFFFFD0]  }
0x135: {  	v13 =	vld [tilespmem:s19+$0xFFFFFFE0];
	v14 =	vsub.f32 $0.0e+00, v6  }
.Ltmp6:
0x136: {  	v9 =	vsub.f32 $0.0e+00, v9;
	v6 =	vld [tilespmem:s19+$0xFFFFFFF0];
	(pc) =	sbr.rel @p0 .LBB2_15-.Ltmp6, $4  }
0x137: {  	v10 =	vsub.f32 $0.0e+00, v10;
	[tilespmem:v7+s30+$0x0] =	vst.idx.add.f32.msk $0xffff, v14  }
0x138: {  	[tilespmem:v1+s30+$0x0] =	vst.idx.add.f32.msk $0xffff, v5;
	v5 =	vsub.f32 $0.0e+00, v11  }
0x139: {  	[tilespmem:v3+s30+$0x0] =	vst.idx.add.f32.msk $0xffff, v2;
	v1 =	vmov v12;
	v2 =	vmov v9  }
0x13a: {  	s19 =	sadd.s32 $0x40, s19;
	[tilespmem:v8+s30+$0x0] =	vst.idx.add.f32.msk $0xffff, v4;
	v3 =	vmov v13;
	v4 =	vmov v10  }
0x13b: {  	_ =	sdelay $0x3  }
0x13c: {  	[tilespmem:v1+s30+$0x0] =	vst.idx.add.f32.msk $0xffff, v5  }
0x13d: {  	[tilespmem:v3+s30+$0x0] =	vst.idx.add.f32.msk $0xffff, v2  }
0x13e: {  	[tilespmem:v6+s30+$0x0] =	vst.idx.add.f32.msk $0xffff, v4  }
0x13f: {  	v1 =	vld [tilespmem:$0x1AB50]  }
0x140: {  	v2 =	vld.idx.msk [tilespmem:v0+s30+$0x0], $0x7;
	_ =	sdelay $0x4  }
0x141: {  	v2 =	vsub.f32 $0.0e+00, v2  }
0x142: {  	s18 =	sadd.s32 $0x5, s14  }
0x143: {  	s16 =	sadd.s32 $0x20, s16;
	s17 =	sshrl.u32 s18, $0x3;
	[tilespmem:v1+s30+$0x0] =	vst.idx.add.f32.msk $0x7, v2  }
0x144: {  	[hbm4b:s16+s26] =	stream.strided.scatter [tilespmem:s30], [sflag:$0x7], $0x5580, s28, s26, $0x38;
	[tilespmem:$0x1AB80] =	vst v63  }
0x145: {  	s17 =	smul.u32 $0x2AC00, s17;
	s16 =	sshll.u32 s18, $0x7  }
0x146: {  	s16 =	sand.u32 $0x280, s16  }
0x147: {  	_ =	swait.ge [sflag:s8], $0x5580;
	s16 =	sor.u32 s16, s17  }
0x148: {  	[sflag:s8] =	ssyncset.done $0x0;
	s16 =	sshrl.u32 s16, $0x3  }
0x149: {  	[sflag:s8] =	ssyncadd.s32 $0xFFFFAA80;
	s16 =	sadd.s32 s5, s16  }
0x14a: {  	[tilespmem:s29], [sflag:$0x2] =	stream.strided.gather [hbm4b:s16+s26], $0x5580, s28, s26, $0x38;
	[tilespmem:$0x1AB80] =	vst v63  }
0x14b: {  	_ =	swait.ge [sflag:s9], $0x5580  }
0x14c: {  	[sflag:s9] =	ssyncset.done $0x0  }
0x14d: {  	[sflag:s9] =	ssyncadd.s32 $0xFFFFAA80  }
0x14e: {  	v1 =	vld [tilespmem:$0x15600]  }
0x14f: {  	v2 =	vld [tilespmem:$0x10080];
	_ =	sdelay $0x4  }
0x150: {  	v2 =	vsub.f32 $0.0e+00, v2;
	_ =	sdelay $0x1  }
0x151: {  	s19 =	simm.s32 $0x15640;
	[tilespmem:v1+s1+$0x0] =	vst.idx.add.f32.msk vm0, v2  }
0x152: {  	s16 =	simm.s32 $0x100A0;
	v5 =	vld [tilespmem:s19+$0x0]  }
0x153: {  	v2 =	vld [tilespmem:s16+$0x20]  }
0x154: {  	v4 =	vld [tilespmem:s16+$0x0]  }
0x155: {  	v7 =	vld [tilespmem:s16+$0x10]  }
0x156: {  	v8 =	vld [tilespmem:s16+$0xFFFFFFF0]  }
0x157: {  	v6 =	vld [tilespmem:s19+$0xFFFFFFF0];
	_ =	sdelay $0x1  }
0x158: {  	v1 =	vld [tilespmem:s19+$0xFFFFFFD0];
	v9 =	vsub.f32 $0.0e+00, v2  }
0x159: {  	v3 =	vld [tilespmem:s19+$0xFFFFFFE0];
	v2 =	vsub.f32 $0.0e+00, v4  }
0x15a: {  	s18 =	simm.s32 $0x15680;
	s17 =	simm.s32 $0x1;
	v4 =	vsub.f32 $0.0e+00, v7;
	[tilespmem:v5+s1+$0x0] =	vst.idx.add.f32.msk $0xffff, v9;
	v5 =	vsub.f32 $0.0e+00, v8  }
.LBB2_17:
0x15b: {  	v7 =	vld [tilespmem:s18+$0x0];
	s17 =	sadd.s32 $0x4, s17;
	s16 =	sadd.s32 $0x40, s16;
	v8 =	vmov v6  }
0x15c: {  	v6 =	vld [tilespmem:s16+$0x20];
	p0 =	slt.u32 s17, $0x551  }
0x15d: {  	v9 =	vld [tilespmem:s16+$0x0]  }
0x15e: {  	v10 =	vld [tilespmem:s16+$0x10]  }
0x15f: {  	v11 =	vld [tilespmem:s16+$0xFFFFFFF0]  }
0x160: {  	v12 =	vld [tilespmem:s18+$0xFFFFFFD0]  }
0x161: {  	v13 =	vld [tilespmem:s18+$0xFFFFFFE0];
	v14 =	vsub.f32 $0.0e+00, v6  }
.Ltmp7:
0x162: {  	v9 =	vsub.f32 $0.0e+00, v9;
	v6 =	vld [tilespmem:s18+$0xFFFFFFF0];
	(pc) =	sbr.rel @p0 .LBB2_17-.Ltmp7, $4  }
0x163: {  	v10 =	vsub.f32 $0.0e+00, v10;
	[tilespmem:v7+s1+$0x0] =	vst.idx.add.f32.msk $0xffff, v14  }
0x164: {  	[tilespmem:v1+s1+$0x0] =	vst.idx.add.f32.msk $0xffff, v5;
	v5 =	vsub.f32 $0.0e+00, v11  }
0x165: {  	[tilespmem:v3+s1+$0x0] =	vst.idx.add.f32.msk $0xffff, v2;
	v1 =	vmov v12;
	v2 =	vmov v9  }
0x166: {  	s18 =	sadd.s32 $0x40, s18;
	[tilespmem:v8+s1+$0x0] =	vst.idx.add.f32.msk $0xffff, v4;
	v3 =	vmov v13;
	v4 =	vmov v10  }
0x167: {  	_ =	sdelay $0x3  }
0x168: {  	[tilespmem:v1+s1+$0x0] =	vst.idx.add.f32.msk $0xffff, v5  }
0x169: {  	[tilespmem:v3+s1+$0x0] =	vst.idx.add.f32.msk $0xffff, v2  }
0x16a: {  	[tilespmem:v6+s1+$0x0] =	vst.idx.add.f32.msk $0xffff, v4  }
0x16b: {  	v1 =	vld [tilespmem:$0x1AB50]  }
0x16c: {  	v2 =	vld.idx.msk [tilespmem:v0+s1+$0x0], $0x7;
	_ =	sdelay $0x4  }
0x16d: {  	v2 =	vsub.f32 $0.0e+00, v2  }
0x16e: {  	s14 =	sadd.s32 $0x6, s14  }
0x16f: {  	s15 =	sadd.s32 s6, s15;
	s13 =	sadd.s32 $0x1, s13;
	s19 =	sshrl.u32 s14, $0x3;
	[tilespmem:v1+s1+$0x0] =	vst.idx.add.f32.msk $0x7, v2  }
0x170: {  	[hbm4b:s15+s26] =	stream.strided.scatter [tilespmem:s1], [sflag:$0x8], $0x5580, s28, s26, $0x38;
	[tilespmem:$0x1AB80] =	vst v63  }
0x171: {  	s14 =	sshll.u32 s14, $0x7;
	p0 =	sne.s32 s13, $0x7;
	s15 =	smul.u32 $0x2AC00, s19  }
.Ltmp8:
0x172: {  	s14 =	sand.u32 $0x300, s14;
	(pc) =	sbr.rel @p0 .LBB2_10-.Ltmp8, $4  }
0x173: {  	_ =	swait.ge [sflag:s10], $0x5580;
	s14 =	sor.u32 s14, s15  }
0x174: {  	[sflag:s10] =	ssyncset.done $0x0;
	s14 =	sshrl.u32 s14, $0x3  }
0x175: {  	[sflag:s10] =	ssyncadd.s32 $0xFFFFAA80;
	s14 =	sadd.s32 s5, s14  }
0x176: {  	[tilespmem:s30], [sflag:$0x3] =	stream.strided.gather [hbm4b:s14+s26], $0x5580, s28, s26, $0x38;
	[tilespmem:$0x1AB80] =	vst v63  }
0x177: {  	_ =	swait.ge [sflag:s31], $0x5580  }
0x178: {  	[sflag:s31] =	ssyncset.done $0x0  }
0x179: {  	[sflag:s31] =	ssyncadd.s32 $0xFFFFAA80  }
0x17a: {  	v1 =	vld [tilespmem:$0x15600]  }
0x17b: {  	v2 =	vld [tilespmem:$0x0];
	_ =	sdelay $0x4  }
0x17c: {  	v2 =	vsub.f32 $0.0e+00, v2;
	_ =	sdelay $0x1  }
0x17d: {  	s14 =	simm.s32 $0x15640;
	[tilespmem:v1+s4+$0x0] =	vst.idx.add.f32.msk vm0, v2  }
0x17e: {  	s13 =	simm.s32 $0x20;
	v5 =	vld [tilespmem:s14+$0x0]  }
0x17f: {  	v2 =	vld [tilespmem:s13+$0x20]  }
0x180: {  	v4 =	vld [tilespmem:s13+$0x0]  }
0x181: {  	v7 =	vld [tilespmem:s13+$0x10]  }
0x182: {  	v8 =	vld [tilespmem:s13+$0xFFFFFFF0]  }
0x183: {  	v6 =	vld [tilespmem:s14+$0xFFFFFFF0];
	_ =	sdelay $0x1  }
0x184: {  	v1 =	vld [tilespmem:s14+$0xFFFFFFD0];
	v9 =	vsub.f32 $0.0e+00, v2  }
0x185: {  	v3 =	vld [tilespmem:s14+$0xFFFFFFE0];
	v2 =	vsub.f32 $0.0e+00, v4  }
0x186: {  	s15 =	simm.s32 $0x15680;
	s14 =	simm.s32 $0x1;
	v4 =	vsub.f32 $0.0e+00, v7;
	[tilespmem:v5+s4+$0x0] =	vst.idx.add.f32.msk $0xffff, v9;
	v5 =	vsub.f32 $0.0e+00, v8  }
.LBB2_20:
0x187: {  	v7 =	vld [tilespmem:s15+$0x0];
	s14 =	sadd.s32 $0x4, s14;
	s13 =	sadd.s32 $0x40, s13;
	v8 =	vmov v6  }
0x188: {  	v6 =	vld [tilespmem:s13+$0x20];
	p0 =	slt.u32 s14, $0x551  }
0x189: {  	v9 =	vld [tilespmem:s13+$0x0]  }
0x18a: {  	v10 =	vld [tilespmem:s13+$0x10]  }
0x18b: {  	v11 =	vld [tilespmem:s13+$0xFFFFFFF0]  }
0x18c: {  	v12 =	vld [tilespmem:s15+$0xFFFFFFD0]  }
0x18d: {  	v13 =	vld [tilespmem:s15+$0xFFFFFFE0];
	v14 =	vsub.f32 $0.0e+00, v6  }
.Ltmp9:
0x18e: {  	v9 =	vsub.f32 $0.0e+00, v9;
	v6 =	vld [tilespmem:s15+$0xFFFFFFF0];
	(pc) =	sbr.rel @p0 .LBB2_20-.Ltmp9, $4  }
0x18f: {  	v10 =	vsub.f32 $0.0e+00, v10;
	[tilespmem:v7+s4+$0x0] =	vst.idx.add.f32.msk $0xffff, v14  }
0x190: {  	[tilespmem:v1+s4+$0x0] =	vst.idx.add.f32.msk $0xffff, v5;
	v5 =	vsub.f32 $0.0e+00, v11  }
0x191: {  	[tilespmem:v3+s4+$0x0] =	vst.idx.add.f32.msk $0xffff, v2;
	v1 =	vmov v12;
	v2 =	vmov v9  }
0x192: {  	s15 =	sadd.s32 $0x40, s15;
	[tilespmem:v8+s4+$0x0] =	vst.idx.add.f32.msk $0xffff, v4;
	v3 =	vmov v13;
	v4 =	vmov v10  }
0x193: {  	_ =	sdelay $0x3  }
0x194: {  	[tilespmem:v1+s4+$0x0] =	vst.idx.add.f32.msk $0xffff, v5  }
0x195: {  	[tilespmem:v3+s4+$0x0] =	vst.idx.add.f32.msk $0xffff, v2  }
0x196: {  	[tilespmem:v6+s4+$0x0] =	vst.idx.add.f32.msk $0xffff, v4  }
0x197: {  	v1 =	vld [tilespmem:$0x1AB50]  }
0x198: {  	v2 =	vld.idx.msk [tilespmem:v0+s4+$0x0], $0x7;
	_ =	sdelay $0x4  }
0x199: {  	v2 =	vsub.f32 $0.0e+00, v2;
	_ =	sdelay $0x1  }
0x19a: {  	s13 =	rddreg [dreg:$0xd];
	[tilespmem:v1+s4+$0x0] =	vst.idx.add.f32.msk $0x7, v2  }
0x19b: {  	[hbm4b:s13+s26] =	stream.strided.scatter [tilespmem:s4], [sflag:$0x5], $0x5580, s28, s26, $0x38;
	[tilespmem:$0x1AB80] =	vst v63  }
0x19c: {  	_ =	swait.ge [sflag:s11], $0x5580  }
0x19d: {  	[sflag:s11] =	ssyncset.done $0x0  }
0x19e: {  	s19 =	rddreg [dreg:$0xe];
	[sflag:s11] =	ssyncadd.s32 $0xFFFFAA80  }
0x19f: {  	[tilespmem:s1], [sflag:$0x4] =	stream.strided.gather [hbm4b:s19+s26], $0x5580, s28, s26, $0x38;
	[tilespmem:$0x1AB80] =	vst v63  }
0x1a0: {  	_ =	swait.ge [sflag:s0], $0x5580  }
0x1a1: {  	[sflag:s0] =	ssyncset.done $0x0  }
0x1a2: {  	[sflag:s0] =	ssyncadd.s32 $0xFFFFAA80  }
0x1a3: {  	v1 =	vld [tilespmem:$0x15600]  }
0x1a4: {  	v2 =	vld [tilespmem:$0x5580];
	_ =	sdelay $0x4  }
0x1a5: {  	v2 =	vsub.f32 $0.0e+00, v2;
	_ =	sdelay $0x1  }
0x1a6: {  	s14 =	simm.s32 $0x15640;
	[tilespmem:v1+s29+$0x0] =	vst.idx.add.f32.msk vm0, v2  }
0x1a7: {  	s13 =	simm.s32 $0x55A0;
	v5 =	vld [tilespmem:s14+$0x0]  }
0x1a8: {  	v2 =	vld [tilespmem:s13+$0x20]  }
0x1a9: {  	v4 =	vld [tilespmem:s13+$0x0]  }
0x1aa: {  	v7 =	vld [tilespmem:s13+$0x10]  }
0x1ab: {  	v8 =	vld [tilespmem:s13+$0xFFFFFFF0]  }
0x1ac: {  	v6 =	vld [tilespmem:s14+$0xFFFFFFF0];
	_ =	sdelay $0x1  }
0x1ad: {  	v1 =	vld [tilespmem:s14+$0xFFFFFFD0];
	v9 =	vsub.f32 $0.0e+00, v2  }
0x1ae: {  	v3 =	vld [tilespmem:s14+$0xFFFFFFE0];
	v2 =	vsub.f32 $0.0e+00, v4  }
0x1af: {  	s15 =	simm.s32 $0x15680;
	s14 =	simm.s32 $0x1;
	v4 =	vsub.f32 $0.0e+00, v7;
	[tilespmem:v5+s29+$0x0] =	vst.idx.add.f32.msk $0xffff, v9;
	v5 =	vsub.f32 $0.0e+00, v8  }
.LBB2_22:
0x1b0: {  	v7 =	vld [tilespmem:s15+$0x0];
	s14 =	sadd.s32 $0x4, s14;
	s13 =	sadd.s32 $0x40, s13;
	v8 =	vmov v6  }
0x1b1: {  	v6 =	vld [tilespmem:s13+$0x20];
	p0 =	slt.u32 s14, $0x551  }
0x1b2: {  	v9 =	vld [tilespmem:s13+$0x0]  }
0x1b3: {  	v10 =	vld [tilespmem:s13+$0x10]  }
0x1b4: {  	v11 =	vld [tilespmem:s13+$0xFFFFFFF0]  }
0x1b5: {  	v12 =	vld [tilespmem:s15+$0xFFFFFFD0]  }
0x1b6: {  	v13 =	vld [tilespmem:s15+$0xFFFFFFE0];
	v14 =	vsub.f32 $0.0e+00, v6  }
.Ltmp10:
0x1b7: {  	v9 =	vsub.f32 $0.0e+00, v9;
	v6 =	vld [tilespmem:s15+$0xFFFFFFF0];
	(pc) =	sbr.rel @p0 .LBB2_22-.Ltmp10, $4  }
0x1b8: {  	v10 =	vsub.f32 $0.0e+00, v10;
	[tilespmem:v7+s29+$0x0] =	vst.idx.add.f32.msk $0xffff, v14  }
0x1b9: {  	[tilespmem:v1+s29+$0x0] =	vst.idx.add.f32.msk $0xffff, v5;
	v5 =	vsub.f32 $0.0e+00, v11  }
0x1ba: {  	[tilespmem:v3+s29+$0x0] =	vst.idx.add.f32.msk $0xffff, v2;
	v1 =	vmov v12;
	v2 =	vmov v9  }
0x1bb: {  	s15 =	sadd.s32 $0x40, s15;
	[tilespmem:v8+s29+$0x0] =	vst.idx.add.f32.msk $0xffff, v4;
	v3 =	vmov v13;
	v4 =	vmov v10  }
0x1bc: {  	_ =	sdelay $0x3  }
0x1bd: {  	[tilespmem:v1+s29+$0x0] =	vst.idx.add.f32.msk $0xffff, v5  }
0x1be: {  	[tilespmem:v3+s29+$0x0] =	vst.idx.add.f32.msk $0xffff, v2  }
0x1bf: {  	[tilespmem:v6+s29+$0x0] =	vst.idx.add.f32.msk $0xffff, v4  }
0x1c0: {  	v1 =	vld [tilespmem:$0x1AB50]  }
0x1c1: {  	v2 =	vld.idx.msk [tilespmem:v0+s29+$0x0], $0x7;
	_ =	sdelay $0x4  }
0x1c2: {  	v2 =	vsub.f32 $0.0e+00, v2;
	_ =	sdelay $0x1  }
0x1c3: {  	[tilespmem:v1+s29+$0x0] =	vst.idx.add.f32.msk $0x7, v2  }
0x1c4: {  	[hbm4b:s20+s26] =	stream.strided.scatter [tilespmem:s29], [sflag:$0x6], $0x5580, s28, s26, $0x38;
	[tilespmem:$0x1AB80] =	vst v63  }
0x1c5: {  	_ =	swait.ge [sflag:s24], $0x5580  }
0x1c6: {  	[sflag:s24] =	ssyncset.done $0x0  }
0x1c7: {  	[sflag:s24] =	ssyncadd.s32 $0xFFFFAA80  }
0x1c8: {  	v1 =	vld [tilespmem:$0x15600]  }
0x1c9: {  	v2 =	vld [tilespmem:$0xAB00];
	_ =	sdelay $0x4  }
0x1ca: {  	v2 =	vsub.f32 $0.0e+00, v2;
	_ =	sdelay $0x1  }
0x1cb: {  	s14 =	simm.s32 $0x15640;
	[tilespmem:v1+s30+$0x0] =	vst.idx.add.f32.msk vm0, v2  }
0x1cc: {  	s13 =	simm.s32 $0xAB20;
	v5 =	vld [tilespmem:s14+$0x0]  }
0x1cd: {  	v2 =	vld [tilespmem:s13+$0x20]  }
0x1ce: {  	v4 =	vld [tilespmem:s13+$0x0]  }
0x1cf: {  	v7 =	vld [tilespmem:s13+$0x10]  }
0x1d0: {  	v8 =	vld [tilespmem:s13+$0xFFFFFFF0]  }
0x1d1: {  	v6 =	vld [tilespmem:s14+$0xFFFFFFF0];
	_ =	sdelay $0x1  }
0x1d2: {  	v1 =	vld [tilespmem:s14+$0xFFFFFFD0];
	v9 =	vsub.f32 $0.0e+00, v2  }
0x1d3: {  	v3 =	vld [tilespmem:s14+$0xFFFFFFE0];
	v2 =	vsub.f32 $0.0e+00, v4  }
0x1d4: {  	s15 =	simm.s32 $0x15680;
	s14 =	simm.s32 $0x1;
	v4 =	vsub.f32 $0.0e+00, v7;
	[tilespmem:v5+s30+$0x0] =	vst.idx.add.f32.msk $0xffff, v9;
	v5 =	vsub.f32 $0.0e+00, v8  }
.LBB2_24:
0x1d5: {  	v7 =	vld [tilespmem:s15+$0x0];
	s14 =	sadd.s32 $0x4, s14;
	s13 =	sadd.s32 $0x40, s13;
	v8 =	vmov v6  }
0x1d6: {  	v6 =	vld [tilespmem:s13+$0x20];
	p0 =	slt.u32 s14, $0x551  }
0x1d7: {  	v9 =	vld [tilespmem:s13+$0x0]  }
0x1d8: {  	v10 =	vld [tilespmem:s13+$0x10]  }
0x1d9: {  	v11 =	vld [tilespmem:s13+$0xFFFFFFF0]  }
0x1da: {  	v12 =	vld [tilespmem:s15+$0xFFFFFFD0]  }
0x1db: {  	v13 =	vld [tilespmem:s15+$0xFFFFFFE0];
	v14 =	vsub.f32 $0.0e+00, v6  }
.Ltmp11:
0x1dc: {  	v9 =	vsub.f32 $0.0e+00, v9;
	v6 =	vld [tilespmem:s15+$0xFFFFFFF0];
	(pc) =	sbr.rel @p0 .LBB2_24-.Ltmp11, $4  }
0x1dd: {  	v10 =	vsub.f32 $0.0e+00, v10;
	[tilespmem:v7+s30+$0x0] =	vst.idx.add.f32.msk $0xffff, v14  }
0x1de: {  	[tilespmem:v1+s30+$0x0] =	vst.idx.add.f32.msk $0xffff, v5;
	v5 =	vsub.f32 $0.0e+00, v11  }
0x1df: {  	[tilespmem:v3+s30+$0x0] =	vst.idx.add.f32.msk $0xffff, v2;
	v1 =	vmov v12;
	v2 =	vmov v9  }
0x1e0: {  	s15 =	sadd.s32 $0x40, s15;
	[tilespmem:v8+s30+$0x0] =	vst.idx.add.f32.msk $0xffff, v4;
	v3 =	vmov v13;
	v4 =	vmov v10  }
0x1e1: {  	_ =	sdelay $0x3  }
0x1e2: {  	[tilespmem:v1+s30+$0x0] =	vst.idx.add.f32.msk $0xffff, v5  }
0x1e3: {  	[tilespmem:v3+s30+$0x0] =	vst.idx.add.f32.msk $0xffff, v2  }
0x1e4: {  	[tilespmem:v6+s30+$0x0] =	vst.idx.add.f32.msk $0xffff, v4  }
0x1e5: {  	v1 =	vld [tilespmem:$0x1AB50]  }
0x1e6: {  	v2 =	vld.idx.msk [tilespmem:v0+s30+$0x0], $0x7;
	_ =	sdelay $0x4  }
0x1e7: {  	v2 =	vsub.f32 $0.0e+00, v2;
	_ =	sdelay $0x1  }
0x1e8: {  	[tilespmem:v1+s30+$0x0] =	vst.idx.add.f32.msk $0x7, v2  }
0x1e9: {  	[hbm4b:s21+s26] =	stream.strided.scatter [tilespmem:s30], [sflag:$0x7], $0x5580, s28, s26, $0x38;
	[tilespmem:$0x1AB80] =	vst v63  }
0x1ea: {  	_ =	swait.ge [sflag:s9], $0x5580  }
0x1eb: {  	[sflag:s9] =	ssyncset.done $0x0  }
0x1ec: {  	[sflag:s9] =	ssyncadd.s32 $0xFFFFAA80  }
0x1ed: {  	v1 =	vld [tilespmem:$0x15600]  }
0x1ee: {  	v2 =	vld [tilespmem:$0x10080];
	_ =	sdelay $0x4  }
0x1ef: {  	v2 =	vsub.f32 $0.0e+00, v2;
	_ =	sdelay $0x1  }
0x1f0: {  	s14 =	simm.s32 $0x15640;
	[tilespmem:v1+s1+$0x0] =	vst.idx.add.f32.msk vm0, v2  }
0x1f1: {  	s13 =	simm.s32 $0x100A0;
	v5 =	vld [tilespmem:s14+$0x0]  }
0x1f2: {  	v2 =	vld [tilespmem:s13+$0x20]  }
0x1f3: {  	v4 =	vld [tilespmem:s13+$0x0]  }
0x1f4: {  	v7 =	vld [tilespmem:s13+$0x10]  }
0x1f5: {  	v8 =	vld [tilespmem:s13+$0xFFFFFFF0]  }
0x1f6: {  	v6 =	vld [tilespmem:s14+$0xFFFFFFF0];
	_ =	sdelay $0x1  }
0x1f7: {  	v1 =	vld [tilespmem:s14+$0xFFFFFFD0];
	v9 =	vsub.f32 $0.0e+00, v2  }
0x1f8: {  	v3 =	vld [tilespmem:s14+$0xFFFFFFE0];
	v2 =	vsub.f32 $0.0e+00, v4  }
0x1f9: {  	s15 =	simm.s32 $0x15680;
	s14 =	simm.s32 $0x1;
	v4 =	vsub.f32 $0.0e+00, v7;
	[tilespmem:v5+s1+$0x0] =	vst.idx.add.f32.msk $0xffff, v9;
	v5 =	vsub.f32 $0.0e+00, v8  }
.LBB2_26:
0x1fa: {  	v7 =	vld [tilespmem:s15+$0x0];
	s14 =	sadd.s32 $0x4, s14;
	s13 =	sadd.s32 $0x40, s13;
	v8 =	vmov v6  }
0x1fb: {  	v6 =	vld [tilespmem:s13+$0x20];
	p0 =	slt.u32 s14, $0x551  }
0x1fc: {  	v9 =	vld [tilespmem:s13+$0x0]  }
0x1fd: {  	v10 =	vld [tilespmem:s13+$0x10]  }
0x1fe: {  	v11 =	vld [tilespmem:s13+$0xFFFFFFF0]  }
0x1ff: {  	v12 =	vld [tilespmem:s15+$0xFFFFFFD0]  }
0x200: {  	v13 =	vld [tilespmem:s15+$0xFFFFFFE0];
	v14 =	vsub.f32 $0.0e+00, v6  }
.Ltmp12:
0x201: {  	v9 =	vsub.f32 $0.0e+00, v9;
	v6 =	vld [tilespmem:s15+$0xFFFFFFF0];
	(pc) =	sbr.rel @p0 .LBB2_26-.Ltmp12, $4  }
0x202: {  	v10 =	vsub.f32 $0.0e+00, v10;
	[tilespmem:v7+s1+$0x0] =	vst.idx.add.f32.msk $0xffff, v14  }
0x203: {  	[tilespmem:v1+s1+$0x0] =	vst.idx.add.f32.msk $0xffff, v5;
	v5 =	vsub.f32 $0.0e+00, v11  }
0x204: {  	[tilespmem:v3+s1+$0x0] =	vst.idx.add.f32.msk $0xffff, v2;
	v1 =	vmov v12;
	v2 =	vmov v9  }
0x205: {  	s15 =	sadd.s32 $0x40, s15;
	[tilespmem:v8+s1+$0x0] =	vst.idx.add.f32.msk $0xffff, v4;
	v3 =	vmov v13;
	v4 =	vmov v10  }
0x206: {  	_ =	sdelay $0x3  }
0x207: {  	[tilespmem:v1+s1+$0x0] =	vst.idx.add.f32.msk $0xffff, v5  }
0x208: {  	[tilespmem:v3+s1+$0x0] =	vst.idx.add.f32.msk $0xffff, v2  }
0x209: {  	[tilespmem:v6+s1+$0x0] =	vst.idx.add.f32.msk $0xffff, v4  }
0x20a: {  	v1 =	vld [tilespmem:$0x1AB50]  }
0x20b: {  	v2 =	vld.idx.msk [tilespmem:v0+s1+$0x0], $0x7;
	_ =	sdelay $0x4  }
0x20c: {  	v2 =	vsub.f32 $0.0e+00, v2;
	_ =	sdelay $0x1  }
0x20d: {  	[tilespmem:v1+s1+$0x0] =	vst.idx.add.f32.msk $0x7, v2  }
0x20e: {  	[hbm4b:s22+s26] =	stream.strided.scatter [tilespmem:s1], [sflag:$0x8], $0x5580, s28, s26, $0x38;
	[tilespmem:$0x1AB80] =	vst v63  }
0x20f: {  	_ =	swait.ge [sflag:s2], $0x5580  }
0x210: {  	[sflag:s2] =	ssyncset.done $0x0  }
0x211: {  	[sflag:s2] =	ssyncadd.s32 $0xFFFFAA80  }
0x212: {  	_ =	swait.ge [sflag:s8], $0x5580  }
0x213: {  	[sflag:s8] =	ssyncset.done $0x0  }
0x214: {  	s12 =	sadd.s32 $0x1, s12;
	[sflag:s8] =	ssyncadd.s32 $0xFFFFAA80  }
0x215: {  	p0 =	sne.s32 s12, s23;
	_ =	swait.ge [sflag:s10], $0x5580  }
.Ltmp13:
0x216: {  	[sflag:s10] =	ssyncset.done $0x0;
	(pc) =	sbr.rel @p0 .LBB2_1-.Ltmp13, $4  }
0x217: {  	[sflag:s10] =	ssyncadd.s32 $0xFFFFAA80  }
0x218: {  	_ =	swait.ge [sflag:s11], $0x5580  }
0x219: {  	[sflag:s11] =	ssyncset.done $0x0  }
0x21a: {  	[sflag:s11] =	ssyncadd.s32 $0xFFFFAA80  }
0x21b: {  	_ =	sfence.sel $0x180000  }
0x21c: {  	[bflag:$0x0] =	sbarrier.arrive $0xFFFF  }
0x21d: {  	_ =	strace $0x90000047  }
0x21e: {  	s0 =	stileid.u32;
	[bflag:$0x2] =	sbarrier.arrive $0xFFFF  }
0x21f: {  	p0 =	sne.s32 s0, $0x0;
	s0 =	rddreg [dreg:$0x2]  }
0x220: {  	s0 =	sadd.s32 @!p0 $0x100000, s0  }
0x221: {  	[sflag:s0] =	ssyncadd.tile.s32 @!p0 $0x1;
	_ =	shalt  }
.Lfunc_end2:
_tile_overlayer_lowered:
.L_overlay_start_2:
0x222: {  	(tag) =	ssettag $0x2  }
0x223: {  	s0 =	rddreg [dreg:$0x0];
	s2 =	stileid.u32  }
0x224: {  	s1 =	rddreg [dreg:$0x1];
	p0 =	sne.s32 s2, $0x0  }
0x225: {  	s3 =	rddreg [dreg:$0x2];
	[bflag:$0x3] =	sbarrier.arrive $0xFFFF;
	s2 =	simm.s32 @!p0 $0x1C09  }
0x226: {  	[timem:s3], [sflag:s2] =	dma.local @!p0 [hbm:s0], s1  }
0x227: {  	s0 =	simm.s32 @!p0 $0x9  }
0x228: {  	_ =	swait.ge @!p0 [sflag:s0], s1  }
0x229: {  	s1 =	ssub.s32 @!p0 $0x0, s1;
	[sflag:s0] =	ssyncset.done @!p0 $0x0  }
0x22a: {  	[sflag:s0] =	ssyncadd.s32 @!p0 s1  }
0x22b: {  	[bflag:$0x3] =	sbarrier.arrive $0xFFFF  }
0x22c: {  	_ =	shalt  }

</sc_bundles>
